<compile_context>
chip_gen: v7x
topology: tpu7x:2x2x1
jax: 0.10.2.dev20260603
libtpu: 0.0.44.dev20260713+nightly
codegen_flags: <defaults>
</compile_context>

<pallas_src>
import dataclasses
import functools

import jax
import jax.numpy as jnp
from jax import lax
from jax.experimental import pallas as pl
from jax.experimental.pallas import tpu as pltpu
from jax.experimental.pallas import tpu_sc as plsc

NC = 2
NS = 16
NW = NC * NS
K = 128
NWIN = 16
DEG_W = 16

def _tc_params():
    return pltpu.CompilerParams(skip_device_barrier=True)


def _sc_mesh():
    return plsc.VectorSubcoreMesh(
        core_axis_name="c", subcore_axis_name="s",
        num_cores=NC, num_subcores=NS)


def _deg_call(dst_r, n_pad, cpt):

    @functools.partial(
        pl.kernel,
        out_type=jax.ShapeDtypeStruct((NW, n_pad), jnp.float32),
        mesh=_sc_mesh(),
        scratch_types=[
            pltpu.VMEM((cpt, K), jnp.int32),
            pltpu.VMEM((n_pad,), jnp.float32),
        ],
        compiler_params=dataclasses.replace(
            pltpu.CompilerParams(skip_device_barrier=True),
            needs_layout_passes=False),
    )
    def k(dst_hbm, out_hbm, idx_v, hist_v):
        core = lax.axis_index("c")
        sub = lax.axis_index("s")
        wid = sub * NC + core

        @pl.loop(0, n_pad // 16)
        def _(i):
            hist_v[pl.ds(i * 16, 16)] = jnp.zeros((16,), jnp.float32)

        pltpu.sync_copy(dst_hbm.at[wid], idx_v)

        ones16 = jnp.ones((16,), jnp.float32)

        @pl.loop(0, cpt)
        def _(c):
            @pl.loop(0, K // 16)
            def _(j):
                v = idx_v[c, pl.ds(j * 16, 16)]
                plsc.addupdate_scatter(hist_v, [v], ones16)

        pltpu.sync_copy(hist_v, out_hbm.at[wid])

    return k(dst_r)


def _agg_call(g_pad, src_r, dst_r, n_pad, cpt, ch, sc_tiling=False):
    stripe = n_pad // NS
    nh = cpt // NWIN

    cp = pltpu.CompilerParams(skip_device_barrier=True)
    if sc_tiling:
        cp = dataclasses.replace(cp, use_tc_tiling_on_sc=False)

    @functools.partial(
        pl.kernel,
        out_type=jax.ShapeDtypeStruct((NC, n_pad, ch), jnp.float32),
        mesh=_sc_mesh(),
        compiler_params=cp,
        scratch_types=[
            pltpu.VMEM((cpt, K), jnp.int32),
            pltpu.VMEM((2, NWIN, K), jnp.int32),
            pltpu.VMEM((K, ch), jnp.float32),
            pltpu.VMEM((K, ch), jnp.float32),
            pltpu.VMEM_SHARED((n_pad, ch), jnp.float32),
            pltpu.SemaphoreType.DMA,
            pltpu.SemaphoreType.DMA,
            pltpu.SemaphoreType.DMA,
        ],
    )
    def k(g_hbm, src_hbm, dst_hbm, out_hbm, src_v, dst_w, buf_a, buf_b,
          acc, sem_a, sem_b, sem_d):
        core = lax.axis_index("c")
        sub = lax.axis_index("s")
        wid = sub * NC + core
        base = sub * stripe

        pltpu.async_copy(src_hbm.at[wid], src_v, sem_a)
        pltpu.async_copy(dst_hbm.at[wid, pl.ds(0, NWIN)], dst_w.at[0], sem_d)

        @pl.loop(0, K)
        def _(i):
            @pl.loop(0, ch // 16)
            def _(j):
                buf_a[i, pl.ds(j * 16, 16)] = jnp.zeros((16,), jnp.float32)

        for off in range(0, stripe, K):
            rows = min(K, stripe - off)
            pltpu.sync_copy(buf_a.at[pl.ds(0, rows)],
                            acc.at[pl.ds(base + off, rows)])

        pltpu.make_async_copy(src_hbm.at[wid], src_v, sem_a).wait()
        plsc.subcore_barrier()

        pltpu.async_copy(g_hbm.at[src_v.at[0]], buf_a, sem_a)
        pltpu.async_copy(g_hbm.at[src_v.at[1]], buf_b, sem_b)

        @pl.loop(0, cpt // 2 - 1)
        def _(i):
            c0 = 2 * i
            h = c0 // NWIN
            rel = c0 % NWIN

            @pl.when(rel == 0)
            def _():
                pltpu.make_async_copy(dst_hbm.at[wid, pl.ds(0, NWIN)],
                                      dst_w.at[h % 2], sem_d).wait()

                @pl.when(h + 1 < nh)
                def _():
                    pltpu.async_copy(
                        dst_hbm.at[wid, pl.ds((h + 1) * NWIN, NWIN)],
                        dst_w.at[(h + 1) % 2], sem_d)

            pltpu.make_async_copy(g_hbm.at[src_v.at[c0]], buf_a, sem_a).wait()
            pltpu.sync_copy(buf_a, acc.at[dst_w.at[h % 2, rel]], add=True)
            pltpu.async_copy(g_hbm.at[src_v.at[c0 + 2]], buf_a, sem_a)
            pltpu.make_async_copy(g_hbm.at[src_v.at[c0 + 1]], buf_b,
                                  sem_b).wait()
            pltpu.sync_copy(buf_b, acc.at[dst_w.at[h % 2, rel + 1]], add=True)
            pltpu.async_copy(g_hbm.at[src_v.at[c0 + 3]], buf_b, sem_b)

        pltpu.make_async_copy(g_hbm.at[src_v.at[cpt - 2]], buf_a, sem_a).wait()
        pltpu.sync_copy(buf_a, acc.at[dst_w.at[(nh - 1) % 2, NWIN - 2]],
                        add=True)
        pltpu.make_async_copy(g_hbm.at[src_v.at[cpt - 1]], buf_b, sem_b).wait()
        pltpu.sync_copy(buf_b, acc.at[dst_w.at[(nh - 1) % 2, NWIN - 1]],
                        add=True)

        plsc.subcore_barrier()
        pltpu.sync_copy(acc.at[pl.ds(base, stripe)],
                        out_hbm.at[core, pl.ds(base, stripe)])

    return k(g_pad, src_r, dst_r)


def _prep1_call(degp, x, w, b, n_pad):
    n, cin = x.shape
    ch = w.shape[1]

    def body(d_ref, x_ref, w_ref, b_ref, g_ref, di_ref):
        deg = jnp.sum(d_ref[...], axis=0, keepdims=True) + 1.0
        dinv = lax.rsqrt(deg)
        node = lax.broadcasted_iota(jnp.int32, (1, n_pad), 1)
        dinv = jnp.where(node < n, dinv, 0.0)
        dinv_col = jnp.transpose(dinv)
        h = jnp.dot(x_ref[...], w_ref[...],
                    preferred_element_type=jnp.float32) + b_ref[...]
        g = h * dinv_col[:n]
        g_ref[...] = jnp.concatenate(
            [g, jnp.zeros((n_pad - n, ch), jnp.float32)], axis=0)
        di_ref[...] = jnp.broadcast_to(dinv_col, (n_pad, DEG_W))

    return pl.pallas_call(
        body,
        compiler_params=_tc_params(),
        out_shape=[
            jax.ShapeDtypeStruct((n_pad, ch), jnp.float32),
            jax.ShapeDtypeStruct((n_pad, DEG_W), jnp.float32),
        ],
    )(degp, x, w, b.reshape(1, ch))


def _g2_call(p1, g1, dinv, w2, b2, stripe):
    n_pad, ch = g1.shape
    co = w2.shape[1]

    def body(p_ref, g_ref, di_ref, w_ref, b_ref, x1_ref, g2_ref):
        p = p_ref[...]
        dinv = di_ref[...][:, 0:1]
        x1 = jnp.maximum((p[0] + p[1] + g_ref[...]) * dinv, 0.0)
        x1_ref[...] = x1
        h2 = jnp.dot(x1, w_ref[...],
                     preferred_element_type=jnp.float32) + b_ref[...]
        g2_ref[...] = h2 * dinv

    return pl.pallas_call(
        body,
        grid=(n_pad // stripe,),
        compiler_params=_tc_params(),
        in_specs=[
            pl.BlockSpec((2, stripe, ch), lambda i: (0, i, 0)),
            pl.BlockSpec((stripe, ch), lambda i: (i, 0)),
            pl.BlockSpec((stripe, DEG_W), lambda i: (i, 0)),
            pl.BlockSpec((ch, co), lambda i: (0, 0)),
            pl.BlockSpec((1, co), lambda i: (0, 0)),
        ],
        out_specs=[
            pl.BlockSpec((stripe, ch), lambda i: (i, 0)),
            pl.BlockSpec((stripe, co), lambda i: (i, 0)),
        ],
        out_shape=[
            jax.ShapeDtypeStruct((n_pad, ch), jnp.float32),
            jax.ShapeDtypeStruct((n_pad, co), jnp.float32),
        ],
    )(p1, g1, dinv, w2, b2.reshape(1, co))


def _comb2_call(p2, g2, dinv, stripe):
    n_pad, co = g2.shape

    def body(p_ref, g_ref, di_ref, x2_ref):
        p = p_ref[...]
        dinv = di_ref[...][:, 0:1]
        x2_ref[...] = (p[0] + p[1] + g_ref[...]) * dinv

    return pl.pallas_call(
        body,
        grid=(n_pad // stripe,),
        compiler_params=_tc_params(),
        in_specs=[
            pl.BlockSpec((2, stripe, co), lambda i: (0, i, 0)),
            pl.BlockSpec((stripe, co), lambda i: (i, 0)),
            pl.BlockSpec((stripe, DEG_W), lambda i: (i, 0)),
        ],
        out_specs=pl.BlockSpec((stripe, co), lambda i: (i, 0)),
        out_shape=jax.ShapeDtypeStruct((n_pad, co), jnp.float32),
    )(p2, g2, dinv)


def kernel(X, edge_index, W1, b1, W2, b2):
    n, _ = X.shape
    e = edge_index.shape[1]

    stripe = -(-(n + 1) // NS)
    stripe = -(-stripe // 8) * 8
    n_pad = NS * stripe

    cpt = -(-e // (NW * K))
    cpt = -(-cpt // NWIN) * NWIN
    ep = cpt * NW * K

    src = edge_index[0].astype(jnp.int32)
    dst = edge_index[1].astype(jnp.int32)
    pad = ep - e
    pad_rows = n_pad - n
    pad_idx = jnp.arange(pad, dtype=jnp.int32)
    src_p = jnp.concatenate([src, n + pad_idx % pad_rows])
    dst_p = jnp.concatenate([dst, n + (pad_idx * 7 + 3) % pad_rows])
    src_r = src_p.reshape(NW, cpt, K)
    dst_r = dst_p.reshape(NW, cpt, K)

    degp = _deg_call(dst_r, n_pad, cpt)
    g1, dinv = _prep1_call(degp, X, W1, b1, n_pad)
    p1 = _agg_call(g1, src_r, dst_r, n_pad, cpt, W1.shape[1])
    x1, g2 = _g2_call(p1, g1, dinv, W2, b2, stripe)
    p2 = _agg_call(g2, src_r, dst_r, n_pad, cpt, W2.shape[1],
                   sc_tiling=True)
    x2 = _comb2_call(p2, g2, dinv, stripe)

    return (x1[:n], x2[:n])

# --- scband reference (transcript-rebuilt; emitter-appended) ---
"""Pipeline reference for scband-gcnt0-76046690942999 (READ-ONLY COPY).

The authoritative reference and input builder live on the scoring server;
editing this copy changes nothing except your own understanding.
"""

import jax, jax.numpy as jnp
import numpy as np

N = 10000
E = 320000
C_IN = 128
C_HID = 128
C_OUT = 64

def setup_inputs(seed: int = 0) -> dict:
    key = jax.random.key(seed)
    k1, k2, k3, k4, k5, k6 = jax.random.split(key, 6)
    X = jax.random.normal(k1, (N, C_IN), dtype=jnp.float32)
    edge_index = jax.random.randint(k2, (2, E), 0, N, dtype=jnp.int64)
    # GCNConv params (theta: Linear(in, out, bias=True)), glorot-style init
    s1 = 1.0 / np.sqrt(C_IN)
    s2 = 1.0 / np.sqrt(C_HID)
    W1 = jax.random.uniform(k3, (C_IN, C_HID), dtype=jnp.float32, minval=-s1, maxval=s1)
    b1 = jax.random.uniform(k4, (C_HID,), dtype=jnp.float32, minval=-s1, maxval=s1)
    W2 = jax.random.uniform(k5, (C_HID, C_OUT), dtype=jnp.float32, minval=-s2, maxval=s2)
    b2 = jax.random.uniform(k6, (C_OUT,), dtype=jnp.float32, minval=-s2, maxval=s2)
    return {"X": X, "edge_index": edge_index, "W1": W1, "b1": b1, "W2": W2, "b2": b2}

def _gcn_smoothing(h, src, dst, norm):
    # D^{-1/2} (A + I) D^{-1/2} h, with self-loops already appended to src/dst
    msg = h[src] * norm[:, None]
    return jax.ops.segment_sum(msg, dst, num_segments=N)

def reference(X, edge_index, W1, b1, W2, b2):
    self_loops = jnp.arange(N, dtype=edge_index.dtype)
    src = jnp.concatenate([edge_index[0], self_loops])
    dst = jnp.concatenate([edge_index[1], self_loops])
    deg = jax.ops.segment_sum(jnp.ones_like(dst, dtype=jnp.float32), dst, num_segments=N)
    dinv = jnp.where(deg > 0, 1.0 / jnp.sqrt(deg), 0.0)
    norm = dinv[src] * dinv[dst]
    # Layer 1: theta -> smoothing -> ReLU (use_bn=False, dropout inactive in eval)
    h1 = X @ W1 + b1
    x1 = jax.nn.relu(_gcn_smoothing(h1, src, dst, norm))
    # Layer 2 (is_last=True): theta -> smoothing, no activation
    h2 = x1 @ W2 + b2
    x2 = _gcn_smoothing(h2, src, dst, norm)
    return (x1, x2)

if __name__ == "__main__":
    import jax
    _d = setup_inputs()
    print(jax.jit(kernel)(*tuple(_d.values())))

</pallas_src>

<mosaic_0001>
#map = affine_map<(d0, d1) -> (0, 0)>
#map1 = affine_map<(d0, d1) -> (0, 0, 0)>
module attributes {stable_mosaic.version = 14 : i64} {
  func.func @k(%arg0: i32, %arg1: i32, %arg2: memref<10112x64xf32, #tpu.memory_space<hbm>>, %arg3: memref<32x80x128xi32, #tpu.memory_space<hbm>>, %arg4: memref<32x80x128xi32, #tpu.memory_space<hbm>>, %arg5: memref<2x10112x64xf32, #tpu.memory_space<hbm>>, %arg6: memref<80x128xi32, #tpu.memory_space<vmem>>, %arg7: memref<2x16x128xi32, #tpu.memory_space<vmem>>, %arg8: memref<128x64xf32, #tpu.memory_space<vmem>>, %arg9: memref<128x64xf32, #tpu.memory_space<vmem>>, %arg10: memref<10112x64xf32, #tpu.memory_space<vmem_shared>>, %arg11: memref<!tpu.dma_semaphore, #tpu.memory_space<semaphore_mem>>, %arg12: memref<!tpu.dma_semaphore, #tpu.memory_space<semaphore_mem>>, %arg13: memref<!tpu.dma_semaphore, #tpu.memory_space<semaphore_mem>>) attributes {dimension_semantics = [#tpu.dimension_semantics<core_parallel>, #tpu.dimension_semantics<subcore_parallel>], iteration_bounds = array<i64: 2, 16>, scalar_prefetch = 0 : i64, scratch_operands = 8 : i64, tpu.core_type = #tpu.core_type<sc_vector_subcore>, window_params = [{transform_indices = #map}, {transform_indices = #map1}, {transform_indices = #map1}, {transform_indices = #map1}]} {
    %mul3A = arith.constant 2 : i32
    %mul3A_0 = arith.muli %arg1, %mul3A : i32
    %add3A = arith.addi %mul3A_0, %arg0 : i32
    %mul3A_1 = arith.constant 632 : i32
    %mul3A_2 = arith.muli %arg1, %mul3A_1 : i32
    %dma_start3A = arith.constant 0 : i32
    %dma_start3A_3 = arith.constant 0 : i32
    %dma_start3A_4 = tpu.memref_slice %arg3[%add3A, %dma_start3A, %dma_start3A_3] : memref<32x80x128xi32, #tpu.memory_space<hbm>> -> memref<1x80x128xi32, #tpu.memory_space<hbm>>
    %dma_start3A_5 = tpu.memref_squeeze %dma_start3A_4 : memref<1x80x128xi32, #tpu.memory_space<hbm>> -> memref<80x128xi32, #tpu.memory_space<hbm>>
    %dma_start3A_6 = arith.constant 0 : i32
    %dma_start3A_7 = arith.constant 0 : i32
    %dma_start3A_8 = tpu.memref_slice %arg3[%add3A, %dma_start3A_6, %dma_start3A_7] : memref<32x80x128xi32, #tpu.memory_space<hbm>> -> memref<1x80x128xi32, #tpu.memory_space<hbm>>
    %dma_start3A_9 = tpu.memref_squeeze %dma_start3A_8 : memref<1x80x128xi32, #tpu.memory_space<hbm>> -> memref<80x128xi32, #tpu.memory_space<hbm>>
    tpu.enqueue_dma source(%dma_start3A_9 : memref<80x128xi32, #tpu.memory_space<hbm>>) target(%arg6 : memref<80x128xi32, #tpu.memory_space<vmem>>) target_semaphore(%arg11 : memref<!tpu.dma_semaphore, #tpu.memory_space<semaphore_mem>>)
    %dma_start3A_10 = arith.constant 0 : i32
    %dma_start3A_11 = arith.constant 0 : i32
    %dma_start3A_12 = arith.constant 0 : i32
    %dma_start3A_13 = tpu.memref_slice %arg7[%dma_start3A_10, %dma_start3A_11, %dma_start3A_12] : memref<2x16x128xi32, #tpu.memory_space<vmem>> -> memref<1x16x128xi32, #tpu.memory_space<vmem>>
    %dma_start3A_14 = tpu.memref_squeeze %dma_start3A_13 : memref<1x16x128xi32, #tpu.memory_space<vmem>> -> memref<16x128xi32, #tpu.memory_space<vmem>>
    %dma_start3A_15 = arith.constant 0 : i32
    %dma_start3A_16 = arith.constant 0 : i32
    %dma_start3A_17 = tpu.memref_slice %arg4[%add3A, %dma_start3A_15, %dma_start3A_16] : memref<32x80x128xi32, #tpu.memory_space<hbm>> -> memref<1x16x128xi32, #tpu.memory_space<hbm>>
    %dma_start3A_18 = tpu.memref_squeeze %dma_start3A_17 : memref<1x16x128xi32, #tpu.memory_space<hbm>> -> memref<16x128xi32, #tpu.memory_space<hbm>>
    %dma_start3A_19 = arith.constant 0 : i32
    %dma_start3A_20 = arith.constant 0 : i32
    %dma_start3A_21 = tpu.memref_slice %arg7[%dma_start3A_10, %dma_start3A_19, %dma_start3A_20] : memref<2x16x128xi32, #tpu.memory_space<vmem>> -> memref<1x16x128xi32, #tpu.memory_space<vmem>>
    %dma_start3A_22 = tpu.memref_squeeze %dma_start3A_21 : memref<1x16x128xi32, #tpu.memory_space<vmem>> -> memref<16x128xi32, #tpu.memory_space<vmem>>
    %dma_start3A_23 = arith.constant 0 : i32
    %dma_start3A_24 = arith.constant 0 : i32
    %dma_start3A_25 = tpu.memref_slice %arg4[%add3A, %dma_start3A_23, %dma_start3A_24] : memref<32x80x128xi32, #tpu.memory_space<hbm>> -> memref<1x16x128xi32, #tpu.memory_space<hbm>>
    %dma_start3A_26 = tpu.memref_squeeze %dma_start3A_25 : memref<1x16x128xi32, #tpu.memory_space<hbm>> -> memref<16x128xi32, #tpu.memory_space<hbm>>
    tpu.enqueue_dma source(%dma_start3A_26 : memref<16x128xi32, #tpu.memory_space<hbm>>) target(%dma_start3A_22 : memref<16x128xi32, #tpu.memory_space<vmem>>) target_semaphore(%arg13 : memref<!tpu.dma_semaphore, #tpu.memory_space<semaphore_mem>>)
    %scan3A = arith.constant 0 : i32
    %scan3A_27 = arith.constant 128 : i32
    %scan3A_28 = arith.addi %scan3A, %scan3A_27 : i32
    %scan3A_29 = arith.constant 1 : i32
    scf.for %scan3A_85 = %scan3A to %scan3A_28 step %scan3A_29  : i32 {
      %mul3A_86 = arith.constant 1 : i32
      %mul3A_87 = arith.muli %scan3A_85, %mul3A_86 : i32
      %add3A_88 = arith.constant 0 : i32
      %add3A_89 = arith.addi %add3A_88, %mul3A_87 : i32
      %scan3A_90 = arith.constant 0 : i32
      %scan3A_91 = arith.constant 4 : i32
      %scan3A_92 = arith.addi %scan3A_90, %scan3A_91 : i32
      %scan3A_93 = arith.constant 1 : i32
      scf.for %scan3A_95 = %scan3A_90 to %scan3A_92 step %scan3A_93  : i32 {
        %mul3A_96 = arith.constant 1 : i32
        %mul3A_97 = arith.muli %scan3A_95, %mul3A_96 : i32
        %add3A_98 = arith.constant 0 : i32
        %add3A_99 = arith.addi %add3A_98, %mul3A_97 : i32
        %broadcast_in_dim3A = arith.constant 0.000000e+00 : f32
        %broadcast_in_dim3A_100 = vector.broadcast %broadcast_in_dim3A : f32 to vector<16xf32>
        %mul3A_101 = arith.constant 16 : i32
        %mul3A_102 = arith.muli %add3A_99, %mul3A_101 : i32
        %swap3A = arith.index_cast %add3A_89 : i32 to index
        %swap3A_103 = arith.index_cast %mul3A_102 : i32 to index
        %swap3A_104 = tpu.vector_load %arg8[%swap3A, %swap3A_103] {strides = array<i32>} : memref<128x64xf32, #tpu.memory_space<vmem>>, vector<1x16xf32>,
        %swap3A_105 = vector.shape_cast %swap3A_104 : vector<1x16xf32> to vector<16xf32>
        %swap3A_106 = vector.shape_cast %broadcast_in_dim3A_100 : vector<16xf32> to vector<1x16xf32>
        tpu.vector_store %arg8[%swap3A, %swap3A_103], %swap3A_106 {strides = array<i32>} : memref<128x64xf32, #tpu.memory_space<vmem>>, vector<1x16xf32>,
      }
      %scan3A_94 = arith.constant 4 : i32
    }
    %scan3A_30 = arith.constant 128 : i32
    %add3A_31 = arith.constant 0 : i32
    %add3A_32 = arith.addi %mul3A_2, %add3A_31 : i32
    "tpu.region"() ({
      %run_scoped3A_85 = tpu.sem_alloc : memref<!tpu.dma_semaphore, #tpu.memory_space<semaphore_mem>>
      %dma_start3A_86 = arith.constant 0 : i32
      %dma_start3A_87 = arith.constant 0 : i32
      %dma_start3A_88 = tpu.memref_slice %arg8[%dma_start3A_86, %dma_start3A_87] : memref<128x64xf32, #tpu.memory_space<vmem>> -> memref<128x64xf32, #tpu.memory_space<vmem>>
      %dma_start3A_89 = arith.constant 0 : i32
      %dma_start3A_90 = tpu.memref_slice %arg10[%add3A_32, %dma_start3A_89] : memref<10112x64xf32, #tpu.memory_space<vmem_shared>> -> memref<128x64xf32, #tpu.memory_space<vmem_shared>>
      %dma_start3A_91 = arith.constant 0 : i32
      %dma_start3A_92 = tpu.memref_slice %arg10[%add3A_32, %dma_start3A_91] : memref<10112x64xf32, #tpu.memory_space<vmem_shared>> -> memref<128x64xf32, #tpu.memory_space<vmem_shared>>
      %dma_start3A_93 = arith.constant 0 : i32
      %dma_start3A_94 = arith.constant 0 : i32
      %dma_start3A_95 = tpu.memref_slice %arg8[%dma_start3A_93, %dma_start3A_94] : memref<128x64xf32, #tpu.memory_space<vmem>> -> memref<128x64xf32, #tpu.memory_space<vmem>>
      tpu.enqueue_dma source(%dma_start3A_95 : memref<128x64xf32, #tpu.memory_space<vmem>>) target(%dma_start3A_92 : memref<128x64xf32, #tpu.memory_space<vmem_shared>>) target_semaphore(%run_scoped3A_85 : memref<!tpu.dma_semaphore, #tpu.memory_space<semaphore_mem>>)
      %dma_wait3A_96 = arith.constant 0 : i32
      %dma_wait3A_97 = arith.constant 0 : i32
      %dma_wait3A_98 = tpu.memref_slice %arg8[%dma_wait3A_96, %dma_wait3A_97] : memref<128x64xf32, #tpu.memory_space<vmem>> -> memref<128x64xf32, #tpu.memory_space<vmem>>
      %dma_wait3A_99 = arith.constant 0 : i32
      %dma_wait3A_100 = tpu.memref_slice %arg10[%add3A_32, %dma_wait3A_99] : memref<10112x64xf32, #tpu.memory_space<vmem_shared>> -> memref<128x64xf32, #tpu.memory_space<vmem_shared>>
      %dma_wait3A_101 = arith.constant 0 : i32
      %dma_wait3A_102 = tpu.memref_slice %arg10[%add3A_32, %dma_wait3A_101] : memref<10112x64xf32, #tpu.memory_space<vmem_shared>> -> memref<128x64xf32, #tpu.memory_space<vmem_shared>>
      %dma_wait3A_103 = arith.constant 0 : i32
      %dma_wait3A_104 = arith.constant 0 : i32
      %dma_wait3A_105 = tpu.memref_slice %arg8[%dma_wait3A_103, %dma_wait3A_104] : memref<128x64xf32, #tpu.memory_space<vmem>> -> memref<128x64xf32, #tpu.memory_space<vmem>>
      tpu.wait_dma2 semaphore(%run_scoped3A_85 : memref<!tpu.dma_semaphore, #tpu.memory_space<semaphore_mem>>) src(%dma_wait3A_105 : memref<128x64xf32, #tpu.memory_space<vmem>>) dst(%dma_wait3A_102 : memref<128x64xf32, #tpu.memory_space<vmem_shared>>)
      tpu.yield
    }) : () -> ()
    %add3A_33 = arith.constant 128 : i32
    %add3A_34 = arith.addi %mul3A_2, %add3A_33 : i32
    "tpu.region"() ({
      %run_scoped3A_85 = tpu.sem_alloc : memref<!tpu.dma_semaphore, #tpu.memory_space<semaphore_mem>>
      %dma_start3A_86 = arith.constant 0 : i32
      %dma_start3A_87 = arith.constant 0 : i32
      %dma_start3A_88 = tpu.memref_slice %arg8[%dma_start3A_86, %dma_start3A_87] : memref<128x64xf32, #tpu.memory_space<vmem>> -> memref<128x64xf32, #tpu.memory_space<vmem>>
      %dma_start3A_89 = arith.constant 0 : i32
      %dma_start3A_90 = tpu.memref_slice %arg10[%add3A_34, %dma_start3A_89] : memref<10112x64xf32, #tpu.memory_space<vmem_shared>> -> memref<128x64xf32, #tpu.memory_space<vmem_shared>>
      %dma_start3A_91 = arith.constant 0 : i32
      %dma_start3A_92 = tpu.memref_slice %arg10[%add3A_34, %dma_start3A_91] : memref<10112x64xf32, #tpu.memory_space<vmem_shared>> -> memref<128x64xf32, #tpu.memory_space<vmem_shared>>
      %dma_start3A_93 = arith.constant 0 : i32
      %dma_start3A_94 = arith.constant 0 : i32
      %dma_start3A_95 = tpu.memref_slice %arg8[%dma_start3A_93, %dma_start3A_94] : memref<128x64xf32, #tpu.memory_space<vmem>> -> memref<128x64xf32, #tpu.memory_space<vmem>>
      tpu.enqueue_dma source(%dma_start3A_95 : memref<128x64xf32, #tpu.memory_space<vmem>>) target(%dma_start3A_92 : memref<128x64xf32, #tpu.memory_space<vmem_shared>>) target_semaphore(%run_scoped3A_85 : memref<!tpu.dma_semaphore, #tpu.memory_space<semaphore_mem>>)
      %dma_wait3A_96 = arith.constant 0 : i32
      %dma_wait3A_97 = arith.constant 0 : i32
      %dma_wait3A_98 = tpu.memref_slice %arg8[%dma_wait3A_96, %dma_wait3A_97] : memref<128x64xf32, #tpu.memory_space<vmem>> -> memref<128x64xf32, #tpu.memory_space<vmem>>
      %dma_wait3A_99 = arith.constant 0 : i32
      %dma_wait3A_100 = tpu.memref_slice %arg10[%add3A_34, %dma_wait3A_99] : memref<10112x64xf32, #tpu.memory_space<vmem_shared>> -> memref<128x64xf32, #tpu.memory_space<vmem_shared>>
      %dma_wait3A_101 = arith.constant 0 : i32
      %dma_wait3A_102 = tpu.memref_slice %arg10[%add3A_34, %dma_wait3A_101] : memref<10112x64xf32, #tpu.memory_space<vmem_shared>> -> memref<128x64xf32, #tpu.memory_space<vmem_shared>>
      %dma_wait3A_103 = arith.constant 0 : i32
      %dma_wait3A_104 = arith.constant 0 : i32
      %dma_wait3A_105 = tpu.memref_slice %arg8[%dma_wait3A_103, %dma_wait3A_104] : memref<128x64xf32, #tpu.memory_space<vmem>> -> memref<128x64xf32, #tpu.memory_space<vmem>>
      tpu.wait_dma2 semaphore(%run_scoped3A_85 : memref<!tpu.dma_semaphore, #tpu.memory_space<semaphore_mem>>) src(%dma_wait3A_105 : memref<128x64xf32, #tpu.memory_space<vmem>>) dst(%dma_wait3A_102 : memref<128x64xf32, #tpu.memory_space<vmem_shared>>)
      tpu.yield
    }) : () -> ()
    %add3A_35 = arith.constant 256 : i32
    %add3A_36 = arith.addi %mul3A_2, %add3A_35 : i32
    "tpu.region"() ({
      %run_scoped3A_85 = tpu.sem_alloc : memref<!tpu.dma_semaphore, #tpu.memory_space<semaphore_mem>>
      %dma_start3A_86 = arith.constant 0 : i32
      %dma_start3A_87 = arith.constant 0 : i32
      %dma_start3A_88 = tpu.memref_slice %arg8[%dma_start3A_86, %dma_start3A_87] : memref<128x64xf32, #tpu.memory_space<vmem>> -> memref<128x64xf32, #tpu.memory_space<vmem>>
      %dma_start3A_89 = arith.constant 0 : i32
      %dma_start3A_90 = tpu.memref_slice %arg10[%add3A_36, %dma_start3A_89] : memref<10112x64xf32, #tpu.memory_space<vmem_shared>> -> memref<128x64xf32, #tpu.memory_space<vmem_shared>>
      %dma_start3A_91 = arith.constant 0 : i32
      %dma_start3A_92 = tpu.memref_slice %arg10[%add3A_36, %dma_start3A_91] : memref<10112x64xf32, #tpu.memory_space<vmem_shared>> -> memref<128x64xf32, #tpu.memory_space<vmem_shared>>
      %dma_start3A_93 = arith.constant 0 : i32
      %dma_start3A_94 = arith.constant 0 : i32
      %dma_start3A_95 = tpu.memref_slice %arg8[%dma_start3A_93, %dma_start3A_94] : memref<128x64xf32, #tpu.memory_space<vmem>> -> memref<128x64xf32, #tpu.memory_space<vmem>>
      tpu.enqueue_dma source(%dma_start3A_95 : memref<128x64xf32, #tpu.memory_space<vmem>>) target(%dma_start3A_92 : memref<128x64xf32, #tpu.memory_space<vmem_shared>>) target_semaphore(%run_scoped3A_85 : memref<!tpu.dma_semaphore, #tpu.memory_space<semaphore_mem>>)
      %dma_wait3A_96 = arith.constant 0 : i32
      %dma_wait3A_97 = arith.constant 0 : i32
      %dma_wait3A_98 = tpu.memref_slice %arg8[%dma_wait3A_96, %dma_wait3A_97] : memref<128x64xf32, #tpu.memory_space<vmem>> -> memref<128x64xf32, #tpu.memory_space<vmem>>
      %dma_wait3A_99 = arith.constant 0 : i32
      %dma_wait3A_100 = tpu.memref_slice %arg10[%add3A_36, %dma_wait3A_99] : memref<10112x64xf32, #tpu.memory_space<vmem_shared>> -> memref<128x64xf32, #tpu.memory_space<vmem_shared>>
      %dma_wait3A_101 = arith.constant 0 : i32
      %dma_wait3A_102 = tpu.memref_slice %arg10[%add3A_36, %dma_wait3A_101] : memref<10112x64xf32, #tpu.memory_space<vmem_shared>> -> memref<128x64xf32, #tpu.memory_space<vmem_shared>>
      %dma_wait3A_103 = arith.constant 0 : i32
      %dma_wait3A_104 = arith.constant 0 : i32
      %dma_wait3A_105 = tpu.memref_slice %arg8[%dma_wait3A_103, %dma_wait3A_104] : memref<128x64xf32, #tpu.memory_space<vmem>> -> memref<128x64xf32, #tpu.memory_space<vmem>>
      tpu.wait_dma2 semaphore(%run_scoped3A_85 : memref<!tpu.dma_semaphore, #tpu.memory_space<semaphore_mem>>) src(%dma_wait3A_105 : memref<128x64xf32, #tpu.memory_space<vmem>>) dst(%dma_wait3A_102 : memref<128x64xf32, #tpu.memory_space<vmem_shared>>)
      tpu.yield
    }) : () -> ()
    %add3A_37 = arith.constant 384 : i32
    %add3A_38 = arith.addi %mul3A_2, %add3A_37 : i32
    "tpu.region"() ({
      %run_scoped3A_85 = tpu.sem_alloc : memref<!tpu.dma_semaphore, #tpu.memory_space<semaphore_mem>>
      %dma_start3A_86 = arith.constant 0 : i32
      %dma_start3A_87 = arith.constant 0 : i32
      %dma_start3A_88 = tpu.memref_slice %arg8[%dma_start3A_86, %dma_start3A_87] : memref<128x64xf32, #tpu.memory_space<vmem>> -> memref<128x64xf32, #tpu.memory_space<vmem>>
      %dma_start3A_89 = arith.constant 0 : i32
      %dma_start3A_90 = tpu.memref_slice %arg10[%add3A_38, %dma_start3A_89] : memref<10112x64xf32, #tpu.memory_space<vmem_shared>> -> memref<128x64xf32, #tpu.memory_space<vmem_shared>>
      %dma_start3A_91 = arith.constant 0 : i32
      %dma_start3A_92 = tpu.memref_slice %arg10[%add3A_38, %dma_start3A_91] : memref<10112x64xf32, #tpu.memory_space<vmem_shared>> -> memref<128x64xf32, #tpu.memory_space<vmem_shared>>
      %dma_start3A_93 = arith.constant 0 : i32
      %dma_start3A_94 = arith.constant 0 : i32
      %dma_start3A_95 = tpu.memref_slice %arg8[%dma_start3A_93, %dma_start3A_94] : memref<128x64xf32, #tpu.memory_space<vmem>> -> memref<128x64xf32, #tpu.memory_space<vmem>>
      tpu.enqueue_dma source(%dma_start3A_95 : memref<128x64xf32, #tpu.memory_space<vmem>>) target(%dma_start3A_92 : memref<128x64xf32, #tpu.memory_space<vmem_shared>>) target_semaphore(%run_scoped3A_85 : memref<!tpu.dma_semaphore, #tpu.memory_space<semaphore_mem>>)
      %dma_wait3A_96 = arith.constant 0 : i32
      %dma_wait3A_97 = arith.constant 0 : i32
      %dma_wait3A_98 = tpu.memref_slice %arg8[%dma_wait3A_96, %dma_wait3A_97] : memref<128x64xf32, #tpu.memory_space<vmem>> -> memref<128x64xf32, #tpu.memory_space<vmem>>
      %dma_wait3A_99 = arith.constant 0 : i32
      %dma_wait3A_100 = tpu.memref_slice %arg10[%add3A_38, %dma_wait3A_99] : memref<10112x64xf32, #tpu.memory_space<vmem_shared>> -> memref<128x64xf32, #tpu.memory_space<vmem_shared>>
      %dma_wait3A_101 = arith.constant 0 : i32
      %dma_wait3A_102 = tpu.memref_slice %arg10[%add3A_38, %dma_wait3A_101] : memref<10112x64xf32, #tpu.memory_space<vmem_shared>> -> memref<128x64xf32, #tpu.memory_space<vmem_shared>>
      %dma_wait3A_103 = arith.constant 0 : i32
      %dma_wait3A_104 = arith.constant 0 : i32
      %dma_wait3A_105 = tpu.memref_slice %arg8[%dma_wait3A_103, %dma_wait3A_104] : memref<128x64xf32, #tpu.memory_space<vmem>> -> memref<128x64xf32, #tpu.memory_space<vmem>>
      tpu.wait_dma2 semaphore(%run_scoped3A_85 : memref<!tpu.dma_semaphore, #tpu.memory_space<semaphore_mem>>) src(%dma_wait3A_105 : memref<128x64xf32, #tpu.memory_space<vmem>>) dst(%dma_wait3A_102 : memref<128x64xf32, #tpu.memory_space<vmem_shared>>)
      tpu.yield
    }) : () -> ()
    %add3A_39 = arith.constant 512 : i32
    %add3A_40 = arith.addi %mul3A_2, %add3A_39 : i32
    "tpu.region"() ({
      %run_scoped3A_85 = tpu.sem_alloc : memref<!tpu.dma_semaphore, #tpu.memory_space<semaphore_mem>>
      %dma_start3A_86 = arith.constant 0 : i32
      %dma_start3A_87 = arith.constant 0 : i32
      %dma_start3A_88 = tpu.memref_slice %arg8[%dma_start3A_86, %dma_start3A_87] : memref<128x64xf32, #tpu.memory_space<vmem>> -> memref<120x64xf32, #tpu.memory_space<vmem>>
      %dma_start3A_89 = arith.constant 0 : i32
      %dma_start3A_90 = tpu.memref_slice %arg10[%add3A_40, %dma_start3A_89] : memref<10112x64xf32, #tpu.memory_space<vmem_shared>> -> memref<120x64xf32, #tpu.memory_space<vmem_shared>>
      %dma_start3A_91 = arith.constant 0 : i32
      %dma_start3A_92 = tpu.memref_slice %arg10[%add3A_40, %dma_start3A_91] : memref<10112x64xf32, #tpu.memory_space<vmem_shared>> -> memref<120x64xf32, #tpu.memory_space<vmem_shared>>
      %dma_start3A_93 = arith.constant 0 : i32
      %dma_start3A_94 = arith.constant 0 : i32
      %dma_start3A_95 = tpu.memref_slice %arg8[%dma_start3A_93, %dma_start3A_94] : memref<128x64xf32, #tpu.memory_space<vmem>> -> memref<120x64xf32, #tpu.memory_space<vmem>>
      tpu.enqueue_dma source(%dma_start3A_95 : memref<120x64xf32, #tpu.memory_space<vmem>>) target(%dma_start3A_92 : memref<120x64xf32, #tpu.memory_space<vmem_shared>>) target_semaphore(%run_scoped3A_85 : memref<!tpu.dma_semaphore, #tpu.memory_space<semaphore_mem>>)
      %dma_wait3A_96 = arith.constant 0 : i32
      %dma_wait3A_97 = arith.constant 0 : i32
      %dma_wait3A_98 = tpu.memref_slice %arg8[%dma_wait3A_96, %dma_wait3A_97] : memref<128x64xf32, #tpu.memory_space<vmem>> -> memref<120x64xf32, #tpu.memory_space<vmem>>
      %dma_wait3A_99 = arith.constant 0 : i32
      %dma_wait3A_100 = tpu.memref_slice %arg10[%add3A_40, %dma_wait3A_99] : memref<10112x64xf32, #tpu.memory_space<vmem_shared>> -> memref<120x64xf32, #tpu.memory_space<vmem_shared>>
      %dma_wait3A_101 = arith.constant 0 : i32
      %dma_wait3A_102 = tpu.memref_slice %arg10[%add3A_40, %dma_wait3A_101] : memref<10112x64xf32, #tpu.memory_space<vmem_shared>> -> memref<120x64xf32, #tpu.memory_space<vmem_shared>>
      %dma_wait3A_103 = arith.constant 0 : i32
      %dma_wait3A_104 = arith.constant 0 : i32
      %dma_wait3A_105 = tpu.memref_slice %arg8[%dma_wait3A_103, %dma_wait3A_104] : memref<128x64xf32, #tpu.memory_space<vmem>> -> memref<120x64xf32, #tpu.memory_space<vmem>>
      tpu.wait_dma2 semaphore(%run_scoped3A_85 : memref<!tpu.dma_semaphore, #tpu.memory_space<semaphore_mem>>) src(%dma_wait3A_105 : memref<120x64xf32, #tpu.memory_space<vmem>>) dst(%dma_wait3A_102 : memref<120x64xf32, #tpu.memory_space<vmem_shared>>)
      tpu.yield
    }) : () -> ()
    %dma_wait3A = arith.constant 0 : i32
    %dma_wait3A_41 = arith.constant 0 : i32
    %dma_wait3A_42 = tpu.memref_slice %arg3[%add3A, %dma_wait3A, %dma_wait3A_41] : memref<32x80x128xi32, #tpu.memory_space<hbm>> -> memref<1x80x128xi32, #tpu.memory_space<hbm>>
    %dma_wait3A_43 = tpu.memref_squeeze %dma_wait3A_42 : memref<1x80x128xi32, #tpu.memory_space<hbm>> -> memref<80x128xi32, #tpu.memory_space<hbm>>
    %dma_wait3A_44 = arith.constant 0 : i32
    %dma_wait3A_45 = arith.constant 0 : i32
    %dma_wait3A_46 = tpu.memref_slice %arg3[%add3A, %dma_wait3A_44, %dma_wait3A_45] : memref<32x80x128xi32, #tpu.memory_space<hbm>> -> memref<1x80x128xi32, #tpu.memory_space<hbm>>
    %dma_wait3A_47 = tpu.memref_squeeze %dma_wait3A_46 : memref<1x80x128xi32, #tpu.memory_space<hbm>> -> memref<80x128xi32, #tpu.memory_space<hbm>>
    tpu.wait_dma2 semaphore(%arg11 : memref<!tpu.dma_semaphore, #tpu.memory_space<semaphore_mem>>) src(%dma_wait3A_47 : memref<80x128xi32, #tpu.memory_space<hbm>>) dst(%arg6 : memref<80x128xi32, #tpu.memory_space<vmem>>)
    %barrier3A = arith.constant 0 : index
    tpu.barrier barrier_id(%barrier3A)
    %dma_start3A_48 = arith.constant 0 : i32
    %dma_start3A_49 = arith.constant 0 : i32
    %dma_start3A_50 = tpu.memref_slice %arg6[%dma_start3A_48, %dma_start3A_49] : memref<80x128xi32, #tpu.memory_space<vmem>> -> memref<1x128xi32, #tpu.memory_space<vmem>>
    %dma_start3A_51 = tpu.memref_squeeze %dma_start3A_50 : memref<1x128xi32, #tpu.memory_space<vmem>> -> memref<128xi32, #tpu.memory_space<vmem>>
    %dma_start3A_52 = arith.constant 0 : i32
    %dma_start3A_53 = arith.constant 0 : i32
    %dma_start3A_54 = tpu.memref_slice %arg2[%dma_start3A_52, %dma_start3A_53] : memref<10112x64xf32, #tpu.memory_space<hbm>> -> memref<10112x64xf32, #tpu.memory_space<hbm>>
    tpu.enqueue_indirect_dma source(%dma_start3A_54 : memref<10112x64xf32, #tpu.memory_space<hbm>>) target(%arg8 : memref<128x64xf32, #tpu.memory_space<vmem>>) offsets(%dma_start3A_51 : memref<128xi32, #tpu.memory_space<vmem>>) semaphore(%arg11 : memref<!tpu.dma_semaphore, #tpu.memory_space<semaphore_mem>>)
    %dma_start3A_55 = arith.constant 1 : i32
    %dma_start3A_56 = arith.constant 0 : i32
    %dma_start3A_57 = tpu.memref_slice %arg6[%dma_start3A_55, %dma_start3A_56] : memref<80x128xi32, #tpu.memory_space<vmem>> -> memref<1x128xi32, #tpu.memory_space<vmem>>
    %dma_start3A_58 = tpu.memref_squeeze %dma_start3A_57 : memref<1x128xi32, #tpu.memory_space<vmem>> -> memref<128xi32, #tpu.memory_space<vmem>>
    %dma_start3A_59 = arith.constant 0 : i32
    %dma_start3A_60 = arith.constant 0 : i32
    %dma_start3A_61 = tpu.memref_slice %arg2[%dma_start3A_59, %dma_start3A_60] : memref<10112x64xf32, #tpu.memory_space<hbm>> -> memref<10112x64xf32, #tpu.memory_space<hbm>>
    tpu.enqueue_indirect_dma source(%dma_start3A_61 : memref<10112x64xf32, #tpu.memory_space<hbm>>) target(%arg9 : memref<128x64xf32, #tpu.memory_space<vmem>>) offsets(%dma_start3A_58 : memref<128xi32, #tpu.memory_space<vmem>>) semaphore(%arg12 : memref<!tpu.dma_semaphore, #tpu.memory_space<semaphore_mem>>)
    %scan3A_62 = arith.constant 0 : i32
    %scan3A_63 = arith.constant 39 : i32
    %scan3A_64 = arith.addi %scan3A_62, %scan3A_63 : i32
    %scan3A_65 = arith.constant 1 : i32
    scf.for %scan3A_85 = %scan3A_62 to %scan3A_64 step %scan3A_65  : i32 {
      %mul3A_86 = arith.constant 1 : i32
      %mul3A_87 = arith.muli %scan3A_85, %mul3A_86 : i32
      %add3A_88 = arith.constant 0 : i32
      %add3A_89 = arith.addi %add3A_88, %mul3A_87 : i32
      %mul3A_90 = arith.constant 2 : i32
      %mul3A_91 = arith.muli %mul3A_90, %add3A_89 : i32
      %jit3A = arith.constant 16 : i32
      %div3A = arith.divsi %mul3A_91, %jit3A : i32
      %sign3A = arith.constant 0 : i32
      %sign3A_92 = arith.cmpi sgt, %mul3A_91, %sign3A : i32
      %sign3A_93 = arith.extui %sign3A_92 : i1 to i32
      %sign3A_94 = arith.constant 0 : i32
      %sign3A_95 = arith.cmpi slt, %mul3A_91, %sign3A_94 : i32
      %sign3A_96 = arith.extui %sign3A_95 : i1 to i32
      %sign3A_97 = arith.subi %sign3A_93, %sign3A_96 : i32
      %sign3A_98 = arith.constant 0 : i32
      %sign3A_99 = arith.cmpi sgt, %jit3A, %sign3A_98 : i32
      %sign3A_100 = arith.extui %sign3A_99 : i1 to i32
      %sign3A_101 = arith.constant 0 : i32
      %sign3A_102 = arith.cmpi slt, %jit3A, %sign3A_101 : i32
      %sign3A_103 = arith.extui %sign3A_102 : i1 to i32
      %sign3A_104 = arith.subi %sign3A_100, %sign3A_103 : i32
      %ne3A = arith.cmpi ne, %sign3A_97, %sign3A_104 : i32
      %rem3A = arith.remsi %mul3A_91, %jit3A : i32
      %ne3A_105 = arith.constant 0 : i32
      %ne3A_106 = arith.cmpi ne, %rem3A, %ne3A_105 : i32
      %and3A = arith.andi %ne3A, %ne3A_106 : i1
      %sub3A = arith.constant 1 : i32
      %sub3A_107 = arith.subi %div3A, %sub3A : i32
      %select_n3A = arith.select %and3A, %sub3A_107, %div3A : i32
      %jit3A_108 = arith.constant 16 : i32
      %eq3A = arith.constant 0 : i32
      %eq3A_109 = arith.cmpi eq, %jit3A_108, %eq3A : i32
      %jit3A_110 = arith.constant 1 : i32
      %select_n3A_111 = arith.select %eq3A_109, %jit3A_110, %jit3A_108 : i32
      %rem3A_112 = arith.remsi %mul3A_91, %select_n3A_111 : i32
      %ne3A_113 = arith.constant 0 : i32
      %ne3A_114 = arith.cmpi ne, %rem3A_112, %ne3A_113 : i32
      %lt3A = arith.constant 0 : i32
      %lt3A_115 = arith.cmpi slt, %rem3A_112, %lt3A : i32
      %lt3A_116 = arith.constant 0 : i32
      %lt3A_117 = arith.cmpi slt, %select_n3A_111, %lt3A_116 : i32
      %ne3A_118 = arith.xori %lt3A_115, %lt3A_117 : i1
      %and3A_119 = arith.andi %ne3A_118, %ne3A_114 : i1
      %add3A_120 = arith.addi %rem3A_112, %select_n3A_111 : i32
      %select_n3A_121 = arith.select %and3A_119, %add3A_120, %rem3A_112 : i32
      %eq3A_122 = arith.constant 0 : i32
      %eq3A_123 = arith.cmpi eq, %select_n3A_121, %eq3A_122 : i32
      %convert_element_type3A = arith.extui %eq3A_123 : i1 to i32
      %cond3A = arith.constant 0 : i32
      %cond3A_124 = arith.cmpi ne, %convert_element_type3A, %cond3A : i32
      scf.if %cond3A_124 {
        %jit3A_189 = arith.constant 2 : i32
        %eq3A_190 = arith.constant 0 : i32
        %eq3A_191 = arith.cmpi eq, %jit3A_189, %eq3A_190 : i32
        %jit3A_192 = arith.constant 1 : i32
        %select_n3A_193 = arith.select %eq3A_191, %jit3A_192, %jit3A_189 : i32
        %rem3A_194 = arith.remsi %select_n3A, %select_n3A_193 : i32
        %ne3A_195 = arith.constant 0 : i32
        %ne3A_196 = arith.cmpi ne, %rem3A_194, %ne3A_195 : i32
        %lt3A_197 = arith.constant 0 : i32
        %lt3A_198 = arith.cmpi slt, %rem3A_194, %lt3A_197 : i32
        %lt3A_199 = arith.constant 0 : i32
        %lt3A_200 = arith.cmpi slt, %select_n3A_193, %lt3A_199 : i32
        %ne3A_201 = arith.xori %lt3A_198, %lt3A_200 : i1
        %and3A_202 = arith.andi %ne3A_201, %ne3A_196 : i1
        %add3A_203 = arith.addi %rem3A_194, %select_n3A_193 : i32
        %select_n3A_204 = arith.select %and3A_202, %add3A_203, %rem3A_194 : i32
        %dma_wait3A_205 = arith.constant 0 : i32
        %dma_wait3A_206 = arith.constant 0 : i32
        %dma_wait3A_207 = tpu.memref_slice %arg7[%select_n3A_204, %dma_wait3A_205, %dma_wait3A_206] : memref<2x16x128xi32, #tpu.memory_space<vmem>> -> memref<1x16x128xi32, #tpu.memory_space<vmem>>
        %dma_wait3A_208 = tpu.memref_squeeze %dma_wait3A_207 : memref<1x16x128xi32, #tpu.memory_space<vmem>> -> memref<16x128xi32, #tpu.memory_space<vmem>>
        %dma_wait3A_209 = arith.constant 0 : i32
        %dma_wait3A_210 = arith.constant 0 : i32
        %dma_wait3A_211 = tpu.memref_slice %arg4[%add3A, %dma_wait3A_209, %dma_wait3A_210] : memref<32x80x128xi32, #tpu.memory_space<hbm>> -> memref<1x16x128xi32, #tpu.memory_space<hbm>>
        %dma_wait3A_212 = tpu.memref_squeeze %dma_wait3A_211 : memref<1x16x128xi32, #tpu.memory_space<hbm>> -> memref<16x128xi32, #tpu.memory_space<hbm>>
        %dma_wait3A_213 = arith.constant 0 : i32
        %dma_wait3A_214 = arith.constant 0 : i32
        %dma_wait3A_215 = tpu.memref_slice %arg7[%select_n3A_204, %dma_wait3A_213, %dma_wait3A_214] : memref<2x16x128xi32, #tpu.memory_space<vmem>> -> memref<1x16x128xi32, #tpu.memory_space<vmem>>
        %dma_wait3A_216 = tpu.memref_squeeze %dma_wait3A_215 : memref<1x16x128xi32, #tpu.memory_space<vmem>> -> memref<16x128xi32, #tpu.memory_space<vmem>>
        %dma_wait3A_217 = arith.constant 0 : i32
        %dma_wait3A_218 = arith.constant 0 : i32
        %dma_wait3A_219 = tpu.memref_slice %arg4[%add3A, %dma_wait3A_217, %dma_wait3A_218] : memref<32x80x128xi32, #tpu.memory_space<hbm>> -> memref<1x16x128xi32, #tpu.memory_space<hbm>>
        %dma_wait3A_220 = tpu.memref_squeeze %dma_wait3A_219 : memref<1x16x128xi32, #tpu.memory_space<hbm>> -> memref<16x128xi32, #tpu.memory_space<hbm>>
        tpu.wait_dma2 semaphore(%arg13 : memref<!tpu.dma_semaphore, #tpu.memory_space<semaphore_mem>>) src(%dma_wait3A_220 : memref<16x128xi32, #tpu.memory_space<hbm>>) dst(%dma_wait3A_216 : memref<16x128xi32, #tpu.memory_space<vmem>>)
        %add3A_221 = arith.constant 1 : i32
        %add3A_222 = arith.addi %select_n3A, %add3A_221 : i32
        %lt3A_223 = arith.constant 5 : i32
        %lt3A_224 = arith.cmpi slt, %add3A_222, %lt3A_223 : i32
        %convert_element_type3A_225 = arith.extui %lt3A_224 : i1 to i32
        %cond3A_226 = arith.constant 0 : i32
        %cond3A_227 = arith.cmpi ne, %convert_element_type3A_225, %cond3A_226 : i32
        scf.if %cond3A_227 {
          %add3A_228 = arith.constant 1 : i32
          %add3A_229 = arith.addi %select_n3A, %add3A_228 : i32
          %mul3A_230 = arith.constant 16 : i32
          %mul3A_231 = arith.muli %add3A_229, %mul3A_230 : i32
          %add3A_232 = arith.constant 1 : i32
          %add3A_233 = arith.addi %select_n3A, %add3A_232 : i32
          %jit3A_234 = arith.constant 2 : i32
          %eq3A_235 = arith.constant 0 : i32
          %eq3A_236 = arith.cmpi eq, %jit3A_234, %eq3A_235 : i32
          %jit3A_237 = arith.constant 1 : i32
          %select_n3A_238 = arith.select %eq3A_236, %jit3A_237, %jit3A_234 : i32
          %rem3A_239 = arith.remsi %add3A_233, %select_n3A_238 : i32
          %ne3A_240 = arith.constant 0 : i32
          %ne3A_241 = arith.cmpi ne, %rem3A_239, %ne3A_240 : i32
          %lt3A_242 = arith.constant 0 : i32
          %lt3A_243 = arith.cmpi slt, %rem3A_239, %lt3A_242 : i32
          %lt3A_244 = arith.constant 0 : i32
          %lt3A_245 = arith.cmpi slt, %select_n3A_238, %lt3A_244 : i32
          %ne3A_246 = arith.xori %lt3A_243, %lt3A_245 : i1
          %and3A_247 = arith.andi %ne3A_246, %ne3A_241 : i1
          %add3A_248 = arith.addi %rem3A_239, %select_n3A_238 : i32
          %select_n3A_249 = arith.select %and3A_247, %add3A_248, %rem3A_239 : i32
          %dma_start3A_250 = arith.constant 0 : i32
          %dma_start3A_251 = arith.constant 0 : i32
          %dma_start3A_252 = tpu.memref_slice %arg7[%select_n3A_249, %dma_start3A_250, %dma_start3A_251] : memref<2x16x128xi32, #tpu.memory_space<vmem>> -> memref<1x16x128xi32, #tpu.memory_space<vmem>>
          %dma_start3A_253 = tpu.memref_squeeze %dma_start3A_252 : memref<1x16x128xi32, #tpu.memory_space<vmem>> -> memref<16x128xi32, #tpu.memory_space<vmem>>
          %dma_start3A_254 = arith.constant 0 : i32
          %dma_start3A_255 = tpu.memref_slice %arg4[%add3A, %mul3A_231, %dma_start3A_254] : memref<32x80x128xi32, #tpu.memory_space<hbm>> -> memref<1x16x128xi32, #tpu.memory_space<hbm>>
          %dma_start3A_256 = tpu.memref_squeeze %dma_start3A_255 : memref<1x16x128xi32, #tpu.memory_space<hbm>> -> memref<16x128xi32, #tpu.memory_space<hbm>>
          %dma_start3A_257 = arith.constant 0 : i32
          %dma_start3A_258 = arith.constant 0 : i32
          %dma_start3A_259 = tpu.memref_slice %arg7[%select_n3A_249, %dma_start3A_257, %dma_start3A_258] : memref<2x16x128xi32, #tpu.memory_space<vmem>> -> memref<1x16x128xi32, #tpu.memory_space<vmem>>
          %dma_start3A_260 = tpu.memref_squeeze %dma_start3A_259 : memref<1x16x128xi32, #tpu.memory_space<vmem>> -> memref<16x128xi32, #tpu.memory_space<vmem>>
          %dma_start3A_261 = arith.constant 0 : i32
          %dma_start3A_262 = tpu.memref_slice %arg4[%add3A, %mul3A_231, %dma_start3A_261] : memref<32x80x128xi32, #tpu.memory_space<hbm>> -> memref<1x16x128xi32, #tpu.memory_space<hbm>>
          %dma_start3A_263 = tpu.memref_squeeze %dma_start3A_262 : memref<1x16x128xi32, #tpu.memory_space<hbm>> -> memref<16x128xi32, #tpu.memory_space<hbm>>
          tpu.enqueue_dma source(%dma_start3A_263 : memref<16x128xi32, #tpu.memory_space<hbm>>) target(%dma_start3A_260 : memref<16x128xi32, #tpu.memory_space<vmem>>) target_semaphore(%arg13 : memref<!tpu.dma_semaphore, #tpu.memory_space<semaphore_mem>>)
        } else {
        }
      } else {
      }
      %dma_wait3A_125 = arith.constant 0 : i32
      %dma_wait3A_126 = tpu.memref_slice %arg6[%mul3A_91, %dma_wait3A_125] : memref<80x128xi32, #tpu.memory_space<vmem>> -> memref<1x128xi32, #tpu.memory_space<vmem>>
      %dma_wait3A_127 = tpu.memref_squeeze %dma_wait3A_126 : memref<1x128xi32, #tpu.memory_space<vmem>> -> memref<128xi32, #tpu.memory_space<vmem>>
      %dma_wait3A_128 = arith.constant 0 : i32
      %dma_wait3A_129 = arith.constant 0 : i32
      %dma_wait3A_130 = tpu.memref_slice %arg2[%dma_wait3A_128, %dma_wait3A_129] : memref<10112x64xf32, #tpu.memory_space<hbm>> -> memref<10112x64xf32, #tpu.memory_space<hbm>>
      tpu.wait_indirect_dma semaphore(%arg11 : memref<!tpu.dma_semaphore, #tpu.memory_space<semaphore_mem>>) src(%dma_wait3A_130 : memref<10112x64xf32, #tpu.memory_space<hbm>>) dst(%arg8 : memref<128x64xf32, #tpu.memory_space<vmem>>)
      %jit3A_131 = arith.constant 2 : i32
      %eq3A_132 = arith.constant 0 : i32
      %eq3A_133 = arith.cmpi eq, %jit3A_131, %eq3A_132 : i32
      %jit3A_134 = arith.constant 1 : i32
      %select_n3A_135 = arith.select %eq3A_133, %jit3A_134, %jit3A_131 : i32
      %rem3A_136 = arith.remsi %select_n3A, %select_n3A_135 : i32
      %ne3A_137 = arith.constant 0 : i32
      %ne3A_138 = arith.cmpi ne, %rem3A_136, %ne3A_137 : i32
      %lt3A_139 = arith.constant 0 : i32
      %lt3A_140 = arith.cmpi slt, %rem3A_136, %lt3A_139 : i32
      %lt3A_141 = arith.constant 0 : i32
      %lt3A_142 = arith.cmpi slt, %select_n3A_135, %lt3A_141 : i32
      %ne3A_143 = arith.xori %lt3A_140, %lt3A_142 : i1
      %and3A_144 = arith.andi %ne3A_143, %ne3A_138 : i1
      %add3A_145 = arith.addi %rem3A_136, %select_n3A_135 : i32
      %select_n3A_146 = arith.select %and3A_144, %add3A_145, %rem3A_136 : i32
      "tpu.region"() ({
        %run_scoped3A_189 = tpu.sem_alloc : memref<!tpu.dma_semaphore, #tpu.memory_space<semaphore_mem>>
        %dma_start3A_190 = arith.constant 0 : i32
        %dma_start3A_191 = tpu.memref_slice %arg7[%select_n3A_146, %select_n3A_121, %dma_start3A_190] : memref<2x16x128xi32, #tpu.memory_space<vmem>> -> memref<1x1x128xi32, #tpu.memory_space<vmem>>
        %dma_start3A_192 = tpu.memref_squeeze %dma_start3A_191 : memref<1x1x128xi32, #tpu.memory_space<vmem>> -> memref<128xi32, #tpu.memory_space<vmem>>
        %dma_start3A_193 = arith.constant 0 : i32
        %dma_start3A_194 = arith.constant 0 : i32
        %dma_start3A_195 = tpu.memref_slice %arg10[%dma_start3A_193, %dma_start3A_194] : memref<10112x64xf32, #tpu.memory_space<vmem_shared>> -> memref<10112x64xf32, #tpu.memory_space<vmem_shared>>
        tpu.enqueue_indirect_dma source(%arg8 : memref<128x64xf32, #tpu.memory_space<vmem>>) target(%dma_start3A_195 : memref<10112x64xf32, #tpu.memory_space<vmem_shared>>) offsets(%dma_start3A_192 : memref<128xi32, #tpu.memory_space<vmem>>) semaphore(%run_scoped3A_189 : memref<!tpu.dma_semaphore, #tpu.memory_space<semaphore_mem>>) {add = true}
        %dma_wait3A_196 = arith.constant 0 : i32
        %dma_wait3A_197 = tpu.memref_slice %arg7[%select_n3A_146, %select_n3A_121, %dma_wait3A_196] : memref<2x16x128xi32, #tpu.memory_space<vmem>> -> memref<1x1x128xi32, #tpu.memory_space<vmem>>
        %dma_wait3A_198 = tpu.memref_squeeze %dma_wait3A_197 : memref<1x1x128xi32, #tpu.memory_space<vmem>> -> memref<128xi32, #tpu.memory_space<vmem>>
        %dma_wait3A_199 = arith.constant 0 : i32
        %dma_wait3A_200 = arith.constant 0 : i32
        %dma_wait3A_201 = tpu.memref_slice %arg10[%dma_wait3A_199, %dma_wait3A_200] : memref<10112x64xf32, #tpu.memory_space<vmem_shared>> -> memref<10112x64xf32, #tpu.memory_space<vmem_shared>>
        tpu.wait_indirect_dma semaphore(%run_scoped3A_189 : memref<!tpu.dma_semaphore, #tpu.memory_space<semaphore_mem>>) src(%arg8 : memref<128x64xf32, #tpu.memory_space<vmem>>) dst(%dma_wait3A_201 : memref<10112x64xf32, #tpu.memory_space<vmem_shared>>)
        tpu.yield
      }) : () -> ()
      %add3A_147 = arith.constant 2 : i32
      %add3A_148 = arith.addi %mul3A_91, %add3A_147 : i32
      %dma_start3A_149 = arith.constant 0 : i32
      %dma_start3A_150 = tpu.memref_slice %arg6[%add3A_148, %dma_start3A_149] : memref<80x128xi32, #tpu.memory_space<vmem>> -> memref<1x128xi32, #tpu.memory_space<vmem>>
      %dma_start3A_151 = tpu.memref_squeeze %dma_start3A_150 : memref<1x128xi32, #tpu.memory_space<vmem>> -> memref<128xi32, #tpu.memory_space<vmem>>
      %dma_start3A_152 = arith.constant 0 : i32
      %dma_start3A_153 = arith.constant 0 : i32
      %dma_start3A_154 = tpu.memref_slice %arg2[%dma_start3A_152, %dma_start3A_153] : memref<10112x64xf32, #tpu.memory_space<hbm>> -> memref<10112x64xf32, #tpu.memory_space<hbm>>
      tpu.enqueue_indirect_dma source(%dma_start3A_154 : memref<10112x64xf32, #tpu.memory_space<hbm>>) target(%arg8 : memref<128x64xf32, #tpu.memory_space<vmem>>) offsets(%dma_start3A_151 : memref<128xi32, #tpu.memory_space<vmem>>) semaphore(%arg11 : memref<!tpu.dma_semaphore, #tpu.memory_space<semaphore_mem>>)
      %add3A_155 = arith.constant 1 : i32
      %add3A_156 = arith.addi %mul3A_91, %add3A_155 : i32
      %dma_wait3A_157 = arith.constant 0 : i32
      %dma_wait3A_158 = tpu.memref_slice %arg6[%add3A_156, %dma_wait3A_157] : memref<80x128xi32, #tpu.memory_space<vmem>> -> memref<1x128xi32, #tpu.memory_space<vmem>>
      %dma_wait3A_159 = tpu.memref_squeeze %dma_wait3A_158 : memref<1x128xi32, #tpu.memory_space<vmem>> -> memref<128xi32, #tpu.memory_space<vmem>>
      %dma_wait3A_160 = arith.constant 0 : i32
      %dma_wait3A_161 = arith.constant 0 : i32
      %dma_wait3A_162 = tpu.memref_slice %arg2[%dma_wait3A_160, %dma_wait3A_161] : memref<10112x64xf32, #tpu.memory_space<hbm>> -> memref<10112x64xf32, #tpu.memory_space<hbm>>
      tpu.wait_indirect_dma semaphore(%arg12 : memref<!tpu.dma_semaphore, #tpu.memory_space<semaphore_mem>>) src(%dma_wait3A_162 : memref<10112x64xf32, #tpu.memory_space<hbm>>) dst(%arg9 : memref<128x64xf32, #tpu.memory_space<vmem>>)
      %jit3A_163 = arith.constant 2 : i32
      %eq3A_164 = arith.constant 0 : i32
      %eq3A_165 = arith.cmpi eq, %jit3A_163, %eq3A_164 : i32
      %jit3A_166 = arith.constant 1 : i32
      %select_n3A_167 = arith.select %eq3A_165, %jit3A_166, %jit3A_163 : i32
      %rem3A_168 = arith.remsi %select_n3A, %select_n3A_167 : i32
      %ne3A_169 = arith.constant 0 : i32
      %ne3A_170 = arith.cmpi ne, %rem3A_168, %ne3A_169 : i32
      %lt3A_171 = arith.constant 0 : i32
      %lt3A_172 = arith.cmpi slt, %rem3A_168, %lt3A_171 : i32
      %lt3A_173 = arith.constant 0 : i32
      %lt3A_174 = arith.cmpi slt, %select_n3A_167, %lt3A_173 : i32
      %ne3A_175 = arith.xori %lt3A_172, %lt3A_174 : i1
      %and3A_176 = arith.andi %ne3A_175, %ne3A_170 : i1
      %add3A_177 = arith.addi %rem3A_168, %select_n3A_167 : i32
      %select_n3A_178 = arith.select %and3A_176, %add3A_177, %rem3A_168 : i32
      %add3A_179 = arith.constant 1 : i32
      %add3A_180 = arith.addi %select_n3A_121, %add3A_179 : i32
      "tpu.region"() ({
        %run_scoped3A_189 = tpu.sem_alloc : memref<!tpu.dma_semaphore, #tpu.memory_space<semaphore_mem>>
        %dma_start3A_190 = arith.constant 0 : i32
        %dma_start3A_191 = tpu.memref_slice %arg7[%select_n3A_178, %add3A_180, %dma_start3A_190] : memref<2x16x128xi32, #tpu.memory_space<vmem>> -> memref<1x1x128xi32, #tpu.memory_space<vmem>>
        %dma_start3A_192 = tpu.memref_squeeze %dma_start3A_191 : memref<1x1x128xi32, #tpu.memory_space<vmem>> -> memref<128xi32, #tpu.memory_space<vmem>>
        %dma_start3A_193 = arith.constant 0 : i32
        %dma_start3A_194 = arith.constant 0 : i32
        %dma_start3A_195 = tpu.memref_slice %arg10[%dma_start3A_193, %dma_start3A_194] : memref<10112x64xf32, #tpu.memory_space<vmem_shared>> -> memref<10112x64xf32, #tpu.memory_space<vmem_shared>>
        tpu.enqueue_indirect_dma source(%arg9 : memref<128x64xf32, #tpu.memory_space<vmem>>) target(%dma_start3A_195 : memref<10112x64xf32, #tpu.memory_space<vmem_shared>>) offsets(%dma_start3A_192 : memref<128xi32, #tpu.memory_space<vmem>>) semaphore(%run_scoped3A_189 : memref<!tpu.dma_semaphore, #tpu.memory_space<semaphore_mem>>) {add = true}
        %dma_wait3A_196 = arith.constant 0 : i32
        %dma_wait3A_197 = tpu.memref_slice %arg7[%select_n3A_178, %add3A_180, %dma_wait3A_196] : memref<2x16x128xi32, #tpu.memory_space<vmem>> -> memref<1x1x128xi32, #tpu.memory_space<vmem>>
        %dma_wait3A_198 = tpu.memref_squeeze %dma_wait3A_197 : memref<1x1x128xi32, #tpu.memory_space<vmem>> -> memref<128xi32, #tpu.memory_space<vmem>>
        %dma_wait3A_199 = arith.constant 0 : i32
        %dma_wait3A_200 = arith.constant 0 : i32
        %dma_wait3A_201 = tpu.memref_slice %arg10[%dma_wait3A_199, %dma_wait3A_200] : memref<10112x64xf32, #tpu.memory_space<vmem_shared>> -> memref<10112x64xf32, #tpu.memory_space<vmem_shared>>
        tpu.wait_indirect_dma semaphore(%run_scoped3A_189 : memref<!tpu.dma_semaphore, #tpu.memory_space<semaphore_mem>>) src(%arg9 : memref<128x64xf32, #tpu.memory_space<vmem>>) dst(%dma_wait3A_201 : memref<10112x64xf32, #tpu.memory_space<vmem_shared>>)
        tpu.yield
      }) : () -> ()
      %add3A_181 = arith.constant 3 : i32
      %add3A_182 = arith.addi %mul3A_91, %add3A_181 : i32
      %dma_start3A_183 = arith.constant 0 : i32
      %dma_start3A_184 = tpu.memref_slice %arg6[%add3A_182, %dma_start3A_183] : memref<80x128xi32, #tpu.memory_space<vmem>> -> memref<1x128xi32, #tpu.memory_space<vmem>>
      %dma_start3A_185 = tpu.memref_squeeze %dma_start3A_184 : memref<1x128xi32, #tpu.memory_space<vmem>> -> memref<128xi32, #tpu.memory_space<vmem>>
      %dma_start3A_186 = arith.constant 0 : i32
      %dma_start3A_187 = arith.constant 0 : i32
      %dma_start3A_188 = tpu.memref_slice %arg2[%dma_start3A_186, %dma_start3A_187] : memref<10112x64xf32, #tpu.memory_space<hbm>> -> memref<10112x64xf32, #tpu.memory_space<hbm>>
      tpu.enqueue_indirect_dma source(%dma_start3A_188 : memref<10112x64xf32, #tpu.memory_space<hbm>>) target(%arg9 : memref<128x64xf32, #tpu.memory_space<vmem>>) offsets(%dma_start3A_185 : memref<128xi32, #tpu.memory_space<vmem>>) semaphore(%arg12 : memref<!tpu.dma_semaphore, #tpu.memory_space<semaphore_mem>>)
    }
    %scan3A_66 = arith.constant 39 : i32
    %dma_wait3A_67 = arith.constant 78 : i32
    %dma_wait3A_68 = arith.constant 0 : i32
    %dma_wait3A_69 = tpu.memref_slice %arg6[%dma_wait3A_67, %dma_wait3A_68] : memref<80x128xi32, #tpu.memory_space<vmem>> -> memref<1x128xi32, #tpu.memory_space<vmem>>
    %dma_wait3A_70 = tpu.memref_squeeze %dma_wait3A_69 : memref<1x128xi32, #tpu.memory_space<vmem>> -> memref<128xi32, #tpu.memory_space<vmem>>
    %dma_wait3A_71 = arith.constant 0 : i32
    %dma_wait3A_72 = arith.constant 0 : i32
    %dma_wait3A_73 = tpu.memref_slice %arg2[%dma_wait3A_71, %dma_wait3A_72] : memref<10112x64xf32, #tpu.memory_space<hbm>> -> memref<10112x64xf32, #tpu.memory_space<hbm>>
    tpu.wait_indirect_dma semaphore(%arg11 : memref<!tpu.dma_semaphore, #tpu.memory_space<semaphore_mem>>) src(%dma_wait3A_73 : memref<10112x64xf32, #tpu.memory_space<hbm>>) dst(%arg8 : memref<128x64xf32, #tpu.memory_space<vmem>>)
    %run_scoped3A = arith.constant 0 : i32
    %run_scoped3A_74 = arith.constant 14 : i32
    "tpu.region"() ({
      %run_scoped3A_85 = tpu.sem_alloc : memref<!tpu.dma_semaphore, #tpu.memory_space<semaphore_mem>>
      %dma_start3A_86 = arith.constant 0 : i32
      %dma_start3A_87 = tpu.memref_slice %arg7[%run_scoped3A, %run_scoped3A_74, %dma_start3A_86] : memref<2x16x128xi32, #tpu.memory_space<vmem>> -> memref<1x1x128xi32, #tpu.memory_space<vmem>>
      %dma_start3A_88 = tpu.memref_squeeze %dma_start3A_87 : memref<1x1x128xi32, #tpu.memory_space<vmem>> -> memref<128xi32, #tpu.memory_space<vmem>>
      %dma_start3A_89 = arith.constant 0 : i32
      %dma_start3A_90 = arith.constant 0 : i32
      %dma_start3A_91 = tpu.memref_slice %arg10[%dma_start3A_89, %dma_start3A_90] : memref<10112x64xf32, #tpu.memory_space<vmem_shared>> -> memref<10112x64xf32, #tpu.memory_space<vmem_shared>>
      tpu.enqueue_indirect_dma source(%arg8 : memref<128x64xf32, #tpu.memory_space<vmem>>) target(%dma_start3A_91 : memref<10112x64xf32, #tpu.memory_space<vmem_shared>>) offsets(%dma_start3A_88 : memref<128xi32, #tpu.memory_space<vmem>>) semaphore(%run_scoped3A_85 : memref<!tpu.dma_semaphore, #tpu.memory_space<semaphore_mem>>) {add = true}
      %dma_wait3A_92 = arith.constant 0 : i32
      %dma_wait3A_93 = tpu.memref_slice %arg7[%run_scoped3A, %run_scoped3A_74, %dma_wait3A_92] : memref<2x16x128xi32, #tpu.memory_space<vmem>> -> memref<1x1x128xi32, #tpu.memory_space<vmem>>
      %dma_wait3A_94 = tpu.memref_squeeze %dma_wait3A_93 : memref<1x1x128xi32, #tpu.memory_space<vmem>> -> memref<128xi32, #tpu.memory_space<vmem>>
      %dma_wait3A_95 = arith.constant 0 : i32
      %dma_wait3A_96 = arith.constant 0 : i32
      %dma_wait3A_97 = tpu.memref_slice %arg10[%dma_wait3A_95, %dma_wait3A_96] : memref<10112x64xf32, #tpu.memory_space<vmem_shared>> -> memref<10112x64xf32, #tpu.memory_space<vmem_shared>>
      tpu.wait_indirect_dma semaphore(%run_scoped3A_85 : memref<!tpu.dma_semaphore, #tpu.memory_space<semaphore_mem>>) src(%arg8 : memref<128x64xf32, #tpu.memory_space<vmem>>) dst(%dma_wait3A_97 : memref<10112x64xf32, #tpu.memory_space<vmem_shared>>)
      tpu.yield
    }) : () -> ()
    %dma_wait3A_75 = arith.constant 79 : i32
    %dma_wait3A_76 = arith.constant 0 : i32
    %dma_wait3A_77 = tpu.memref_slice %arg6[%dma_wait3A_75, %dma_wait3A_76] : memref<80x128xi32, #tpu.memory_space<vmem>> -> memref<1x128xi32, #tpu.memory_space<vmem>>
    %dma_wait3A_78 = tpu.memref_squeeze %dma_wait3A_77 : memref<1x128xi32, #tpu.memory_space<vmem>> -> memref<128xi32, #tpu.memory_space<vmem>>
    %dma_wait3A_79 = arith.constant 0 : i32
    %dma_wait3A_80 = arith.constant 0 : i32
    %dma_wait3A_81 = tpu.memref_slice %arg2[%dma_wait3A_79, %dma_wait3A_80] : memref<10112x64xf32, #tpu.memory_space<hbm>> -> memref<10112x64xf32, #tpu.memory_space<hbm>>
    tpu.wait_indirect_dma semaphore(%arg12 : memref<!tpu.dma_semaphore, #tpu.memory_space<semaphore_mem>>) src(%dma_wait3A_81 : memref<10112x64xf32, #tpu.memory_space<hbm>>) dst(%arg9 : memref<128x64xf32, #tpu.memory_space<vmem>>)
    %run_scoped3A_82 = arith.constant 0 : i32
    %run_scoped3A_83 = arith.constant 15 : i32
    "tpu.region"() ({
      %run_scoped3A_85 = tpu.sem_alloc : memref<!tpu.dma_semaphore, #tpu.memory_space<semaphore_mem>>
      %dma_start3A_86 = arith.constant 0 : i32
      %dma_start3A_87 = tpu.memref_slice %arg7[%run_scoped3A_82, %run_scoped3A_83, %dma_start3A_86] : memref<2x16x128xi32, #tpu.memory_space<vmem>> -> memref<1x1x128xi32, #tpu.memory_space<vmem>>
      %dma_start3A_88 = tpu.memref_squeeze %dma_start3A_87 : memref<1x1x128xi32, #tpu.memory_space<vmem>> -> memref<128xi32, #tpu.memory_space<vmem>>
      %dma_start3A_89 = arith.constant 0 : i32
      %dma_start3A_90 = arith.constant 0 : i32
      %dma_start3A_91 = tpu.memref_slice %arg10[%dma_start3A_89, %dma_start3A_90] : memref<10112x64xf32, #tpu.memory_space<vmem_shared>> -> memref<10112x64xf32, #tpu.memory_space<vmem_shared>>
      tpu.enqueue_indirect_dma source(%arg9 : memref<128x64xf32, #tpu.memory_space<vmem>>) target(%dma_start3A_91 : memref<10112x64xf32, #tpu.memory_space<vmem_shared>>) offsets(%dma_start3A_88 : memref<128xi32, #tpu.memory_space<vmem>>) semaphore(%run_scoped3A_85 : memref<!tpu.dma_semaphore, #tpu.memory_space<semaphore_mem>>) {add = true}
      %dma_wait3A_92 = arith.constant 0 : i32
      %dma_wait3A_93 = tpu.memref_slice %arg7[%run_scoped3A_82, %run_scoped3A_83, %dma_wait3A_92] : memref<2x16x128xi32, #tpu.memory_space<vmem>> -> memref<1x1x128xi32, #tpu.memory_space<vmem>>
      %dma_wait3A_94 = tpu.memref_squeeze %dma_wait3A_93 : memref<1x1x128xi32, #tpu.memory_space<vmem>> -> memref<128xi32, #tpu.memory_space<vmem>>
      %dma_wait3A_95 = arith.constant 0 : i32
      %dma_wait3A_96 = arith.constant 0 : i32
      %dma_wait3A_97 = tpu.memref_slice %arg10[%dma_wait3A_95, %dma_wait3A_96] : memref<10112x64xf32, #tpu.memory_space<vmem_shared>> -> memref<10112x64xf32, #tpu.memory_space<vmem_shared>>
      tpu.wait_indirect_dma semaphore(%run_scoped3A_85 : memref<!tpu.dma_semaphore, #tpu.memory_space<semaphore_mem>>) src(%arg9 : memref<128x64xf32, #tpu.memory_space<vmem>>) dst(%dma_wait3A_97 : memref<10112x64xf32, #tpu.memory_space<vmem_shared>>)
      tpu.yield
    }) : () -> ()
    %barrier3A_84 = arith.constant 0 : index
    tpu.barrier barrier_id(%barrier3A_84)
    "tpu.region"() ({
      %run_scoped3A_85 = tpu.sem_alloc : memref<!tpu.dma_semaphore, #tpu.memory_space<semaphore_mem>>
      %dma_start3A_86 = arith.constant 0 : i32
      %dma_start3A_87 = tpu.memref_slice %arg5[%arg0, %mul3A_2, %dma_start3A_86] : memref<2x10112x64xf32, #tpu.memory_space<hbm>> -> memref<1x632x64xf32, #tpu.memory_space<hbm>>
      %dma_start3A_88 = tpu.memref_squeeze %dma_start3A_87 : memref<1x632x64xf32, #tpu.memory_space<hbm>> -> memref<632x64xf32, #tpu.memory_space<hbm>>
      %dma_start3A_89 = arith.constant 0 : i32
      %dma_start3A_90 = tpu.memref_slice %arg10[%mul3A_2, %dma_start3A_89] : memref<10112x64xf32, #tpu.memory_space<vmem_shared>> -> memref<632x64xf32, #tpu.memory_space<vmem_shared>>
      tpu.enqueue_dma source(%dma_start3A_90 : memref<632x64xf32, #tpu.memory_space<vmem_shared>>) target(%dma_start3A_88 : memref<632x64xf32, #tpu.memory_space<hbm>>) target_semaphore(%run_scoped3A_85 : memref<!tpu.dma_semaphore, #tpu.memory_space<semaphore_mem>>)
      %dma_wait3A_91 = arith.constant 0 : i32
      %dma_wait3A_92 = tpu.memref_slice %arg5[%arg0, %mul3A_2, %dma_wait3A_91] : memref<2x10112x64xf32, #tpu.memory_space<hbm>> -> memref<1x632x64xf32, #tpu.memory_space<hbm>>
      %dma_wait3A_93 = tpu.memref_squeeze %dma_wait3A_92 : memref<1x632x64xf32, #tpu.memory_space<hbm>> -> memref<632x64xf32, #tpu.memory_space<hbm>>
      %dma_wait3A_94 = arith.constant 0 : i32
      %dma_wait3A_95 = tpu.memref_slice %arg10[%mul3A_2, %dma_wait3A_94] : memref<10112x64xf32, #tpu.memory_space<vmem_shared>> -> memref<632x64xf32, #tpu.memory_space<vmem_shared>>
      tpu.wait_dma2 semaphore(%run_scoped3A_85 : memref<!tpu.dma_semaphore, #tpu.memory_space<semaphore_mem>>) src(%dma_wait3A_95 : memref<632x64xf32, #tpu.memory_space<vmem_shared>>) dst(%dma_wait3A_93 : memref<632x64xf32, #tpu.memory_space<hbm>>)
      tpu.yield
    }) : () -> ()
    return
  }
}

#map = affine_map<(d0, d1) -> (0, 0, 0)>
#map1 = affine_map<(d0, d1) -> (0, 0)>
module attributes {stable_mosaic.version = 14 : i64} {
  func.func @k(%arg0: i32, %arg1: i32, %arg2: memref<32x80x128xi32, #tpu.memory_space<hbm>>, %arg3: memref<32x10112xf32, #tpu.memory_space<hbm>>, %arg4: memref<80x128xi32, #tpu.memory_space<vmem>>, %arg5: memref<10112xf32, #tpu.memory_space<vmem>>) attributes {dimension_semantics = [#tpu.dimension_semantics<core_parallel>, #tpu.dimension_semantics<subcore_parallel>], iteration_bounds = array<i64: 2, 16>, scalar_prefetch = 0 : i64, scratch_operands = 2 : i64, tpu.core_type = #tpu.core_type<sc_vector_subcore>, window_params = [{transform_indices = #map}, {transform_indices = #map1}]} {
    %mul3A = arith.constant 2 : i32
    %mul3A_0 = arith.muli %arg1, %mul3A : i32
    %add3A = arith.addi %mul3A_0, %arg0 : i32
    %scan3A = arith.constant 0 : i32
    %scan3A_1 = arith.constant 632 : i32
    %scan3A_2 = arith.addi %scan3A, %scan3A_1 : i32
    %scan3A_3 = arith.constant 1 : i32
    scf.for %scan3A_11 = %scan3A to %scan3A_2 step %scan3A_3  : i32 {
      %mul3A_12 = arith.constant 1 : i32
      %mul3A_13 = arith.muli %scan3A_11, %mul3A_12 : i32
      %add3A_14 = arith.constant 0 : i32
      %add3A_15 = arith.addi %add3A_14, %mul3A_13 : i32
      %broadcast_in_dim3A_16 = arith.constant 0.000000e+00 : f32
      %broadcast_in_dim3A_17 = vector.broadcast %broadcast_in_dim3A_16 : f32 to vector<16xf32>
      %mul3A_18 = arith.constant 16 : i32
      %mul3A_19 = arith.muli %add3A_15, %mul3A_18 : i32
      %swap3A = arith.index_cast %mul3A_19 : i32 to index
      %swap3A_20 = tpu.vector_load %arg5[%swap3A] {strides = array<i32>} : memref<10112xf32, #tpu.memory_space<vmem>>, vector<16xf32>,
      tpu.vector_store %arg5[%swap3A], %broadcast_in_dim3A_17 {strides = array<i32>} : memref<10112xf32, #tpu.memory_space<vmem>>, vector<16xf32>,
    }
    %scan3A_4 = arith.constant 632 : i32
    "tpu.region"() ({
      %run_scoped3A = tpu.sem_alloc : memref<!tpu.dma_semaphore, #tpu.memory_space<semaphore_mem>>
      %dma_start3A = arith.constant 0 : i32
      %dma_start3A_11 = arith.constant 0 : i32
      %dma_start3A_12 = tpu.memref_slice %arg2[%add3A, %dma_start3A, %dma_start3A_11] : memref<32x80x128xi32, #tpu.memory_space<hbm>> -> memref<1x80x128xi32, #tpu.memory_space<hbm>>
      %dma_start3A_13 = tpu.memref_squeeze %dma_start3A_12 : memref<1x80x128xi32, #tpu.memory_space<hbm>> -> memref<80x128xi32, #tpu.memory_space<hbm>>
      %dma_start3A_14 = arith.constant 0 : i32
      %dma_start3A_15 = arith.constant 0 : i32
      %dma_start3A_16 = tpu.memref_slice %arg2[%add3A, %dma_start3A_14, %dma_start3A_15] : memref<32x80x128xi32, #tpu.memory_space<hbm>> -> memref<1x80x128xi32, #tpu.memory_space<hbm>>
      %dma_start3A_17 = tpu.memref_squeeze %dma_start3A_16 : memref<1x80x128xi32, #tpu.memory_space<hbm>> -> memref<80x128xi32, #tpu.memory_space<hbm>>
      tpu.enqueue_dma source(%dma_start3A_17 : memref<80x128xi32, #tpu.memory_space<hbm>>) target(%arg4 : memref<80x128xi32, #tpu.memory_space<vmem>>) target_semaphore(%run_scoped3A : memref<!tpu.dma_semaphore, #tpu.memory_space<semaphore_mem>>)
      %dma_wait3A = arith.constant 0 : i32
      %dma_wait3A_18 = arith.constant 0 : i32
      %dma_wait3A_19 = tpu.memref_slice %arg2[%add3A, %dma_wait3A, %dma_wait3A_18] : memref<32x80x128xi32, #tpu.memory_space<hbm>> -> memref<1x80x128xi32, #tpu.memory_space<hbm>>
      %dma_wait3A_20 = tpu.memref_squeeze %dma_wait3A_19 : memref<1x80x128xi32, #tpu.memory_space<hbm>> -> memref<80x128xi32, #tpu.memory_space<hbm>>
      %dma_wait3A_21 = arith.constant 0 : i32
      %dma_wait3A_22 = arith.constant 0 : i32
      %dma_wait3A_23 = tpu.memref_slice %arg2[%add3A, %dma_wait3A_21, %dma_wait3A_22] : memref<32x80x128xi32, #tpu.memory_space<hbm>> -> memref<1x80x128xi32, #tpu.memory_space<hbm>>
      %dma_wait3A_24 = tpu.memref_squeeze %dma_wait3A_23 : memref<1x80x128xi32, #tpu.memory_space<hbm>> -> memref<80x128xi32, #tpu.memory_space<hbm>>
      tpu.wait_dma2 semaphore(%run_scoped3A : memref<!tpu.dma_semaphore, #tpu.memory_space<semaphore_mem>>) src(%dma_wait3A_24 : memref<80x128xi32, #tpu.memory_space<hbm>>) dst(%arg4 : memref<80x128xi32, #tpu.memory_space<vmem>>)
      tpu.yield
    }) : () -> ()
    %broadcast_in_dim3A = arith.constant 1.000000e+00 : f32
    %broadcast_in_dim3A_5 = vector.broadcast %broadcast_in_dim3A : f32 to vector<16xf32>
    %scan3A_6 = arith.constant 0 : i32
    %scan3A_7 = arith.constant 80 : i32
    %scan3A_8 = arith.addi %scan3A_6, %scan3A_7 : i32
    %scan3A_9 = arith.constant 1 : i32
    scf.for %scan3A_11 = %scan3A_6 to %scan3A_8 step %scan3A_9  : i32 {
      %mul3A_12 = arith.constant 1 : i32
      %mul3A_13 = arith.muli %scan3A_11, %mul3A_12 : i32
      %add3A_14 = arith.constant 0 : i32
      %add3A_15 = arith.addi %add3A_14, %mul3A_13 : i32
      %scan3A_16 = arith.constant 0 : i32
      %scan3A_17 = arith.constant 8 : i32
      %scan3A_18 = arith.addi %scan3A_16, %scan3A_17 : i32
      %scan3A_19 = arith.constant 1 : i32
      scf.for %scan3A_21 = %scan3A_16 to %scan3A_18 step %scan3A_19  : i32 {
        %mul3A_22 = arith.constant 1 : i32
        %mul3A_23 = arith.muli %scan3A_21, %mul3A_22 : i32
        %add3A_24 = arith.constant 0 : i32
        %add3A_25 = arith.addi %add3A_24, %mul3A_23 : i32
        %mul3A_26 = arith.constant 16 : i32
        %mul3A_27 = arith.muli %add3A_25, %mul3A_26 : i32
        %get3A = arith.index_cast %add3A_15 : i32 to index
        %get3A_28 = arith.index_cast %mul3A_27 : i32 to index
        %get3A_29 = tpu.vector_load %arg4[%get3A, %get3A_28] {strides = array<i32>} : memref<80x128xi32, #tpu.memory_space<vmem>>, vector<16xi32>,
        tpu.vector_store_idx %arg5[%get3A_29], %broadcast_in_dim3A_5 {add = true} : memref<10112xf32, #tpu.memory_space<vmem>>[vector<16xi32>], vector<16xf32>,
      }
      %scan3A_20 = arith.constant 8 : i32
    }
    %scan3A_10 = arith.constant 80 : i32
    "tpu.region"() ({
      %run_scoped3A = tpu.sem_alloc : memref<!tpu.dma_semaphore, #tpu.memory_space<semaphore_mem>>
      %dma_start3A = arith.constant 0 : i32
      %dma_start3A_11 = tpu.memref_slice %arg3[%add3A, %dma_start3A] : memref<32x10112xf32, #tpu.memory_space<hbm>> -> memref<1x10112xf32, #tpu.memory_space<hbm>>
      %dma_start3A_12 = tpu.memref_squeeze %dma_start3A_11 : memref<1x10112xf32, #tpu.memory_space<hbm>> -> memref<10112xf32, #tpu.memory_space<hbm>>
      %dma_start3A_13 = arith.constant 0 : i32
      %dma_start3A_14 = tpu.memref_slice %arg3[%add3A, %dma_start3A_13] : memref<32x10112xf32, #tpu.memory_space<hbm>> -> memref<1x10112xf32, #tpu.memory_space<hbm>>
      %dma_start3A_15 = tpu.memref_squeeze %dma_start3A_14 : memref<1x10112xf32, #tpu.memory_space<hbm>> -> memref<10112xf32, #tpu.memory_space<hbm>>
      tpu.enqueue_dma source(%arg5 : memref<10112xf32, #tpu.memory_space<vmem>>) target(%dma_start3A_15 : memref<10112xf32, #tpu.memory_space<hbm>>) target_semaphore(%run_scoped3A : memref<!tpu.dma_semaphore, #tpu.memory_space<semaphore_mem>>)
      %dma_wait3A = arith.constant 0 : i32
      %dma_wait3A_16 = tpu.memref_slice %arg3[%add3A, %dma_wait3A] : memref<32x10112xf32, #tpu.memory_space<hbm>> -> memref<1x10112xf32, #tpu.memory_space<hbm>>
      %dma_wait3A_17 = tpu.memref_squeeze %dma_wait3A_16 : memref<1x10112xf32, #tpu.memory_space<hbm>> -> memref<10112xf32, #tpu.memory_space<hbm>>
      %dma_wait3A_18 = arith.constant 0 : i32
      %dma_wait3A_19 = tpu.memref_slice %arg3[%add3A, %dma_wait3A_18] : memref<32x10112xf32, #tpu.memory_space<hbm>> -> memref<1x10112xf32, #tpu.memory_space<hbm>>
      %dma_wait3A_20 = tpu.memref_squeeze %dma_wait3A_19 : memref<1x10112xf32, #tpu.memory_space<hbm>> -> memref<10112xf32, #tpu.memory_space<hbm>>
      tpu.wait_dma2 semaphore(%run_scoped3A : memref<!tpu.dma_semaphore, #tpu.memory_space<semaphore_mem>>) src(%arg5 : memref<10112xf32, #tpu.memory_space<vmem>>) dst(%dma_wait3A_20 : memref<10112xf32, #tpu.memory_space<hbm>>)
      tpu.yield
    }) : () -> ()
    return
  }
}

#map = affine_map<(d0, d1) -> (0, 0)>
#map1 = affine_map<(d0, d1) -> (0, 0, 0)>
module attributes {stable_mosaic.version = 14 : i64} {
  func.func @k(%arg0: i32, %arg1: i32, %arg2: memref<10112x128xf32, #tpu.memory_space<hbm>>, %arg3: memref<32x80x128xi32, #tpu.memory_space<hbm>>, %arg4: memref<32x80x128xi32, #tpu.memory_space<hbm>>, %arg5: memref<2x10112x128xf32, #tpu.memory_space<hbm>>, %arg6: memref<80x128xi32, #tpu.memory_space<vmem>>, %arg7: memref<2x16x128xi32, #tpu.memory_space<vmem>>, %arg8: memref<128x128xf32, #tpu.memory_space<vmem>>, %arg9: memref<128x128xf32, #tpu.memory_space<vmem>>, %arg10: memref<10112x128xf32, #tpu.memory_space<vmem_shared>>, %arg11: memref<!tpu.dma_semaphore, #tpu.memory_space<semaphore_mem>>, %arg12: memref<!tpu.dma_semaphore, #tpu.memory_space<semaphore_mem>>, %arg13: memref<!tpu.dma_semaphore, #tpu.memory_space<semaphore_mem>>) attributes {dimension_semantics = [#tpu.dimension_semantics<core_parallel>, #tpu.dimension_semantics<subcore_parallel>], iteration_bounds = array<i64: 2, 16>, scalar_prefetch = 0 : i64, scratch_operands = 8 : i64, tpu.core_type = #tpu.core_type<sc_vector_subcore>, window_params = [{transform_indices = #map}, {transform_indices = #map1}, {transform_indices = #map1}, {transform_indices = #map1}]} {
    %mul3A = arith.constant 2 : i32
    %mul3A_0 = arith.muli %arg1, %mul3A : i32
    %add3A = arith.addi %mul3A_0, %arg0 : i32
    %mul3A_1 = arith.constant 632 : i32
    %mul3A_2 = arith.muli %arg1, %mul3A_1 : i32
    %dma_start3A = arith.constant 0 : i32
    %dma_start3A_3 = arith.constant 0 : i32
    %dma_start3A_4 = tpu.memref_slice %arg3[%add3A, %dma_start3A, %dma_start3A_3] : memref<32x80x128xi32, #tpu.memory_space<hbm>> -> memref<1x80x128xi32, #tpu.memory_space<hbm>>
    %dma_start3A_5 = tpu.memref_squeeze %dma_start3A_4 : memref<1x80x128xi32, #tpu.memory_space<hbm>> -> memref<80x128xi32, #tpu.memory_space<hbm>>
    %dma_start3A_6 = arith.constant 0 : i32
    %dma_start3A_7 = arith.constant 0 : i32
    %dma_start3A_8 = tpu.memref_slice %arg3[%add3A, %dma_start3A_6, %dma_start3A_7] : memref<32x80x128xi32, #tpu.memory_space<hbm>> -> memref<1x80x128xi32, #tpu.memory_space<hbm>>
    %dma_start3A_9 = tpu.memref_squeeze %dma_start3A_8 : memref<1x80x128xi32, #tpu.memory_space<hbm>> -> memref<80x128xi32, #tpu.memory_space<hbm>>
    tpu.enqueue_dma source(%dma_start3A_9 : memref<80x128xi32, #tpu.memory_space<hbm>>) target(%arg6 : memref<80x128xi32, #tpu.memory_space<vmem>>) target_semaphore(%arg11 : memref<!tpu.dma_semaphore, #tpu.memory_space<semaphore_mem>>)
    %dma_start3A_10 = arith.constant 0 : i32
    %dma_start3A_11 = arith.constant 0 : i32
    %dma_start3A_12 = arith.constant 0 : i32
    %dma_start3A_13 = tpu.memref_slice %arg7[%dma_start3A_10, %dma_start3A_11, %dma_start3A_12] : memref<2x16x128xi32, #tpu.memory_space<vmem>> -> memref<1x16x128xi32, #tpu.memory_space<vmem>>
    %dma_start3A_14 = tpu.memref_squeeze %dma_start3A_13 : memref<1x16x128xi32, #tpu.memory_space<vmem>> -> memref<16x128xi32, #tpu.memory_space<vmem>>
    %dma_start3A_15 = arith.constant 0 : i32
    %dma_start3A_16 = arith.constant 0 : i32
    %dma_start3A_17 = tpu.memref_slice %arg4[%add3A, %dma_start3A_15, %dma_start3A_16] : memref<32x80x128xi32, #tpu.memory_space<hbm>> -> memref<1x16x128xi32, #tpu.memory_space<hbm>>
    %dma_start3A_18 = tpu.memref_squeeze %dma_start3A_17 : memref<1x16x128xi32, #tpu.memory_space<hbm>> -> memref<16x128xi32, #tpu.memory_space<hbm>>
    %dma_start3A_19 = arith.constant 0 : i32
    %dma_start3A_20 = arith.constant 0 : i32
    %dma_start3A_21 = tpu.memref_slice %arg7[%dma_start3A_10, %dma_start3A_19, %dma_start3A_20] : memref<2x16x128xi32, #tpu.memory_space<vmem>> -> memref<1x16x128xi32, #tpu.memory_space<vmem>>
    %dma_start3A_22 = tpu.memref_squeeze %dma_start3A_21 : memref<1x16x128xi32, #tpu.memory_space<vmem>> -> memref<16x128xi32, #tpu.memory_space<vmem>>
    %dma_start3A_23 = arith.constant 0 : i32
    %dma_start3A_24 = arith.constant 0 : i32
    %dma_start3A_25 = tpu.memref_slice %arg4[%add3A, %dma_start3A_23, %dma_start3A_24] : memref<32x80x128xi32, #tpu.memory_space<hbm>> -> memref<1x16x128xi32, #tpu.memory_space<hbm>>
    %dma_start3A_26 = tpu.memref_squeeze %dma_start3A_25 : memref<1x16x128xi32, #tpu.memory_space<hbm>> -> memref<16x128xi32, #tpu.memory_space<hbm>>
    tpu.enqueue_dma source(%dma_start3A_26 : memref<16x128xi32, #tpu.memory_space<hbm>>) target(%dma_start3A_22 : memref<16x128xi32, #tpu.memory_space<vmem>>) target_semaphore(%arg13 : memref<!tpu.dma_semaphore, #tpu.memory_space<semaphore_mem>>)
    %scan3A = arith.constant 0 : i32
    %scan3A_27 = arith.constant 128 : i32
    %scan3A_28 = arith.addi %scan3A, %scan3A_27 : i32
    %scan3A_29 = arith.constant 1 : i32
    scf.for %scan3A_85 = %scan3A to %scan3A_28 step %scan3A_29  : i32 {
      %mul3A_86 = arith.constant 1 : i32
      %mul3A_87 = arith.muli %scan3A_85, %mul3A_86 : i32
      %add3A_88 = arith.constant 0 : i32
      %add3A_89 = arith.addi %add3A_88, %mul3A_87 : i32
      %scan3A_90 = arith.constant 0 : i32
      %scan3A_91 = arith.constant 8 : i32
      %scan3A_92 = arith.addi %scan3A_90, %scan3A_91 : i32
      %scan3A_93 = arith.constant 1 : i32
      scf.for %scan3A_95 = %scan3A_90 to %scan3A_92 step %scan3A_93  : i32 {
        %mul3A_96 = arith.constant 1 : i32
        %mul3A_97 = arith.muli %scan3A_95, %mul3A_96 : i32
        %add3A_98 = arith.constant 0 : i32
        %add3A_99 = arith.addi %add3A_98, %mul3A_97 : i32
        %broadcast_in_dim3A = arith.constant 0.000000e+00 : f32
        %broadcast_in_dim3A_100 = vector.broadcast %broadcast_in_dim3A : f32 to vector<16xf32>
        %mul3A_101 = arith.constant 16 : i32
        %mul3A_102 = arith.muli %add3A_99, %mul3A_101 : i32
        %swap3A = arith.index_cast %add3A_89 : i32 to index
        %swap3A_103 = arith.index_cast %mul3A_102 : i32 to index
        %swap3A_104 = tpu.vector_load %arg8[%swap3A, %swap3A_103] {strides = array<i32>} : memref<128x128xf32, #tpu.memory_space<vmem>>, vector<1x16xf32>,
        %swap3A_105 = vector.shape_cast %swap3A_104 : vector<1x16xf32> to vector<16xf32>
        %swap3A_106 = vector.shape_cast %broadcast_in_dim3A_100 : vector<16xf32> to vector<1x16xf32>
        tpu.vector_store %arg8[%swap3A, %swap3A_103], %swap3A_106 {strides = array<i32>} : memref<128x128xf32, #tpu.memory_space<vmem>>, vector<1x16xf32>,
      }
      %scan3A_94 = arith.constant 8 : i32
    }
    %scan3A_30 = arith.constant 128 : i32
    %add3A_31 = arith.constant 0 : i32
    %add3A_32 = arith.addi %mul3A_2, %add3A_31 : i32
    "tpu.region"() ({
      %run_scoped3A_85 = tpu.sem_alloc : memref<!tpu.dma_semaphore, #tpu.memory_space<semaphore_mem>>
      %dma_start3A_86 = arith.constant 0 : i32
      %dma_start3A_87 = arith.constant 0 : i32
      %dma_start3A_88 = tpu.memref_slice %arg8[%dma_start3A_86, %dma_start3A_87] : memref<128x128xf32, #tpu.memory_space<vmem>> -> memref<128x128xf32, #tpu.memory_space<vmem>>
      %dma_start3A_89 = arith.constant 0 : i32
      %dma_start3A_90 = tpu.memref_slice %arg10[%add3A_32, %dma_start3A_89] : memref<10112x128xf32, #tpu.memory_space<vmem_shared>> -> memref<128x128xf32, #tpu.memory_space<vmem_shared>>
      %dma_start3A_91 = arith.constant 0 : i32
      %dma_start3A_92 = tpu.memref_slice %arg10[%add3A_32, %dma_start3A_91] : memref<10112x128xf32, #tpu.memory_space<vmem_shared>> -> memref<128x128xf32, #tpu.memory_space<vmem_shared>>
      %dma_start3A_93 = arith.constant 0 : i32
      %dma_start3A_94 = arith.constant 0 : i32
      %dma_start3A_95 = tpu.memref_slice %arg8[%dma_start3A_93, %dma_start3A_94] : memref<128x128xf32, #tpu.memory_space<vmem>> -> memref<128x128xf32, #tpu.memory_space<vmem>>
      tpu.enqueue_dma source(%dma_start3A_95 : memref<128x128xf32, #tpu.memory_space<vmem>>) target(%dma_start3A_92 : memref<128x128xf32, #tpu.memory_space<vmem_shared>>) target_semaphore(%run_scoped3A_85 : memref<!tpu.dma_semaphore, #tpu.memory_space<semaphore_mem>>)
      %dma_wait3A_96 = arith.constant 0 : i32
      %dma_wait3A_97 = arith.constant 0 : i32
      %dma_wait3A_98 = tpu.memref_slice %arg8[%dma_wait3A_96, %dma_wait3A_97] : memref<128x128xf32, #tpu.memory_space<vmem>> -> memref<128x128xf32, #tpu.memory_space<vmem>>
      %dma_wait3A_99 = arith.constant 0 : i32
      %dma_wait3A_100 = tpu.memref_slice %arg10[%add3A_32, %dma_wait3A_99] : memref<10112x128xf32, #tpu.memory_space<vmem_shared>> -> memref<128x128xf32, #tpu.memory_space<vmem_shared>>
      %dma_wait3A_101 = arith.constant 0 : i32
      %dma_wait3A_102 = tpu.memref_slice %arg10[%add3A_32, %dma_wait3A_101] : memref<10112x128xf32, #tpu.memory_space<vmem_shared>> -> memref<128x128xf32, #tpu.memory_space<vmem_shared>>
      %dma_wait3A_103 = arith.constant 0 : i32
      %dma_wait3A_104 = arith.constant 0 : i32
      %dma_wait3A_105 = tpu.memref_slice %arg8[%dma_wait3A_103, %dma_wait3A_104] : memref<128x128xf32, #tpu.memory_space<vmem>> -> memref<128x128xf32, #tpu.memory_space<vmem>>
      tpu.wait_dma2 semaphore(%run_scoped3A_85 : memref<!tpu.dma_semaphore, #tpu.memory_space<semaphore_mem>>) src(%dma_wait3A_105 : memref<128x128xf32, #tpu.memory_space<vmem>>) dst(%dma_wait3A_102 : memref<128x128xf32, #tpu.memory_space<vmem_shared>>)
      tpu.yield
    }) : () -> ()
    %add3A_33 = arith.constant 128 : i32
    %add3A_34 = arith.addi %mul3A_2, %add3A_33 : i32
    "tpu.region"() ({
      %run_scoped3A_85 = tpu.sem_alloc : memref<!tpu.dma_semaphore, #tpu.memory_space<semaphore_mem>>
      %dma_start3A_86 = arith.constant 0 : i32
      %dma_start3A_87 = arith.constant 0 : i32
      %dma_start3A_88 = tpu.memref_slice %arg8[%dma_start3A_86, %dma_start3A_87] : memref<128x128xf32, #tpu.memory_space<vmem>> -> memref<128x128xf32, #tpu.memory_space<vmem>>
      %dma_start3A_89 = arith.constant 0 : i32
      %dma_start3A_90 = tpu.memref_slice %arg10[%add3A_34, %dma_start3A_89] : memref<10112x128xf32, #tpu.memory_space<vmem_shared>> -> memref<128x128xf32, #tpu.memory_space<vmem_shared>>
      %dma_start3A_91 = arith.constant 0 : i32
      %dma_start3A_92 = tpu.memref_slice %arg10[%add3A_34, %dma_start3A_91] : memref<10112x128xf32, #tpu.memory_space<vmem_shared>> -> memref<128x128xf32, #tpu.memory_space<vmem_shared>>
      %dma_start3A_93 = arith.constant 0 : i32
      %dma_start3A_94 = arith.constant 0 : i32
      %dma_start3A_95 = tpu.memref_slice %arg8[%dma_start3A_93, %dma_start3A_94] : memref<128x128xf32, #tpu.memory_space<vmem>> -> memref<128x128xf32, #tpu.memory_space<vmem>>
      tpu.enqueue_dma source(%dma_start3A_95 : memref<128x128xf32, #tpu.memory_space<vmem>>) target(%dma_start3A_92 : memref<128x128xf32, #tpu.memory_space<vmem_shared>>) target_semaphore(%run_scoped3A_85 : memref<!tpu.dma_semaphore, #tpu.memory_space<semaphore_mem>>)
      %dma_wait3A_96 = arith.constant 0 : i32
      %dma_wait3A_97 = arith.constant 0 : i32
      %dma_wait3A_98 = tpu.memref_slice %arg8[%dma_wait3A_96, %dma_wait3A_97] : memref<128x128xf32, #tpu.memory_space<vmem>> -> memref<128x128xf32, #tpu.memory_space<vmem>>
      %dma_wait3A_99 = arith.constant 0 : i32
      %dma_wait3A_100 = tpu.memref_slice %arg10[%add3A_34, %dma_wait3A_99] : memref<10112x128xf32, #tpu.memory_space<vmem_shared>> -> memref<128x128xf32, #tpu.memory_space<vmem_shared>>
      %dma_wait3A_101 = arith.constant 0 : i32
      %dma_wait3A_102 = tpu.memref_slice %arg10[%add3A_34, %dma_wait3A_101] : memref<10112x128xf32, #tpu.memory_space<vmem_shared>> -> memref<128x128xf32, #tpu.memory_space<vmem_shared>>
      %dma_wait3A_103 = arith.constant 0 : i32
      %dma_wait3A_104 = arith.constant 0 : i32
      %dma_wait3A_105 = tpu.memref_slice %arg8[%dma_wait3A_103, %dma_wait3A_104] : memref<128x128xf32, #tpu.memory_space<vmem>> -> memref<128x128xf32, #tpu.memory_space<vmem>>
      tpu.wait_dma2 semaphore(%run_scoped3A_85 : memref<!tpu.dma_semaphore, #tpu.memory_space<semaphore_mem>>) src(%dma_wait3A_105 : memref<128x128xf32, #tpu.memory_space<vmem>>) dst(%dma_wait3A_102 : memref<128x128xf32, #tpu.memory_space<vmem_shared>>)
      tpu.yield
    }) : () -> ()
    %add3A_35 = arith.constant 256 : i32
    %add3A_36 = arith.addi %mul3A_2, %add3A_35 : i32
    "tpu.region"() ({
      %run_scoped3A_85 = tpu.sem_alloc : memref<!tpu.dma_semaphore, #tpu.memory_space<semaphore_mem>>
      %dma_start3A_86 = arith.constant 0 : i32
      %dma_start3A_87 = arith.constant 0 : i32
      %dma_start3A_88 = tpu.memref_slice %arg8[%dma_start3A_86, %dma_start3A_87] : memref<128x128xf32, #tpu.memory_space<vmem>> -> memref<128x128xf32, #tpu.memory_space<vmem>>
      %dma_start3A_89 = arith.constant 0 : i32
      %dma_start3A_90 = tpu.memref_slice %arg10[%add3A_36, %dma_start3A_89] : memref<10112x128xf32, #tpu.memory_space<vmem_shared>> -> memref<128x128xf32, #tpu.memory_space<vmem_shared>>
      %dma_start3A_91 = arith.constant 0 : i32
      %dma_start3A_92 = tpu.memref_slice %arg10[%add3A_36, %dma_start3A_91] : memref<10112x128xf32, #tpu.memory_space<vmem_shared>> -> memref<128x128xf32, #tpu.memory_space<vmem_shared>>
      %dma_start3A_93 = arith.constant 0 : i32
      %dma_start3A_94 = arith.constant 0 : i32
      %dma_start3A_95 = tpu.memref_slice %arg8[%dma_start3A_93, %dma_start3A_94] : memref<128x128xf32, #tpu.memory_space<vmem>> -> memref<128x128xf32, #tpu.memory_space<vmem>>
      tpu.enqueue_dma source(%dma_start3A_95 : memref<128x128xf32, #tpu.memory_space<vmem>>) target(%dma_start3A_92 : memref<128x128xf32, #tpu.memory_space<vmem_shared>>) target_semaphore(%run_scoped3A_85 : memref<!tpu.dma_semaphore, #tpu.memory_space<semaphore_mem>>)
      %dma_wait3A_96 = arith.constant 0 : i32
      %dma_wait3A_97 = arith.constant 0 : i32
      %dma_wait3A_98 = tpu.memref_slice %arg8[%dma_wait3A_96, %dma_wait3A_97] : memref<128x128xf32, #tpu.memory_space<vmem>> -> memref<128x128xf32, #tpu.memory_space<vmem>>
      %dma_wait3A_99 = arith.constant 0 : i32
      %dma_wait3A_100 = tpu.memref_slice %arg10[%add3A_36, %dma_wait3A_99] : memref<10112x128xf32, #tpu.memory_space<vmem_shared>> -> memref<128x128xf32, #tpu.memory_space<vmem_shared>>
      %dma_wait3A_101 = arith.constant 0 : i32
      %dma_wait3A_102 = tpu.memref_slice %arg10[%add3A_36, %dma_wait3A_101] : memref<10112x128xf32, #tpu.memory_space<vmem_shared>> -> memref<128x128xf32, #tpu.memory_space<vmem_shared>>
      %dma_wait3A_103 = arith.constant 0 : i32
      %dma_wait3A_104 = arith.constant 0 : i32
      %dma_wait3A_105 = tpu.memref_slice %arg8[%dma_wait3A_103, %dma_wait3A_104] : memref<128x128xf32, #tpu.memory_space<vmem>> -> memref<128x128xf32, #tpu.memory_space<vmem>>
      tpu.wait_dma2 semaphore(%run_scoped3A_85 : memref<!tpu.dma_semaphore, #tpu.memory_space<semaphore_mem>>) src(%dma_wait3A_105 : memref<128x128xf32, #tpu.memory_space<vmem>>) dst(%dma_wait3A_102 : memref<128x128xf32, #tpu.memory_space<vmem_shared>>)
      tpu.yield
    }) : () -> ()
    %add3A_37 = arith.constant 384 : i32
    %add3A_38 = arith.addi %mul3A_2, %add3A_37 : i32
    "tpu.region"() ({
      %run_scoped3A_85 = tpu.sem_alloc : memref<!tpu.dma_semaphore, #tpu.memory_space<semaphore_mem>>
      %dma_start3A_86 = arith.constant 0 : i32
      %dma_start3A_87 = arith.constant 0 : i32
      %dma_start3A_88 = tpu.memref_slice %arg8[%dma_start3A_86, %dma_start3A_87] : memref<128x128xf32, #tpu.memory_space<vmem>> -> memref<128x128xf32, #tpu.memory_space<vmem>>
      %dma_start3A_89 = arith.constant 0 : i32
      %dma_start3A_90 = tpu.memref_slice %arg10[%add3A_38, %dma_start3A_89] : memref<10112x128xf32, #tpu.memory_space<vmem_shared>> -> memref<128x128xf32, #tpu.memory_space<vmem_shared>>
      %dma_start3A_91 = arith.constant 0 : i32
      %dma_start3A_92 = tpu.memref_slice %arg10[%add3A_38, %dma_start3A_91] : memref<10112x128xf32, #tpu.memory_space<vmem_shared>> -> memref<128x128xf32, #tpu.memory_space<vmem_shared>>
      %dma_start3A_93 = arith.constant 0 : i32
      %dma_start3A_94 = arith.constant 0 : i32
      %dma_start3A_95 = tpu.memref_slice %arg8[%dma_start3A_93, %dma_start3A_94] : memref<128x128xf32, #tpu.memory_space<vmem>> -> memref<128x128xf32, #tpu.memory_space<vmem>>
      tpu.enqueue_dma source(%dma_start3A_95 : memref<128x128xf32, #tpu.memory_space<vmem>>) target(%dma_start3A_92 : memref<128x128xf32, #tpu.memory_space<vmem_shared>>) target_semaphore(%run_scoped3A_85 : memref<!tpu.dma_semaphore, #tpu.memory_space<semaphore_mem>>)
      %dma_wait3A_96 = arith.constant 0 : i32
      %dma_wait3A_97 = arith.constant 0 : i32
      %dma_wait3A_98 = tpu.memref_slice %arg8[%dma_wait3A_96, %dma_wait3A_97] : memref<128x128xf32, #tpu.memory_space<vmem>> -> memref<128x128xf32, #tpu.memory_space<vmem>>
      %dma_wait3A_99 = arith.constant 0 : i32
      %dma_wait3A_100 = tpu.memref_slice %arg10[%add3A_38, %dma_wait3A_99] : memref<10112x128xf32, #tpu.memory_space<vmem_shared>> -> memref<128x128xf32, #tpu.memory_space<vmem_shared>>
      %dma_wait3A_101 = arith.constant 0 : i32
      %dma_wait3A_102 = tpu.memref_slice %arg10[%add3A_38, %dma_wait3A_101] : memref<10112x128xf32, #tpu.memory_space<vmem_shared>> -> memref<128x128xf32, #tpu.memory_space<vmem_shared>>
      %dma_wait3A_103 = arith.constant 0 : i32
      %dma_wait3A_104 = arith.constant 0 : i32
      %dma_wait3A_105 = tpu.memref_slice %arg8[%dma_wait3A_103, %dma_wait3A_104] : memref<128x128xf32, #tpu.memory_space<vmem>> -> memref<128x128xf32, #tpu.memory_space<vmem>>
      tpu.wait_dma2 semaphore(%run_scoped3A_85 : memref<!tpu.dma_semaphore, #tpu.memory_space<semaphore_mem>>) src(%dma_wait3A_105 : memref<128x128xf32, #tpu.memory_space<vmem>>) dst(%dma_wait3A_102 : memref<128x128xf32, #tpu.memory_space<vmem_shared>>)
      tpu.yield
    }) : () -> ()
    %add3A_39 = arith.constant 512 : i32
    %add3A_40 = arith.addi %mul3A_2, %add3A_39 : i32
    "tpu.region"() ({
      %run_scoped3A_85 = tpu.sem_alloc : memref<!tpu.dma_semaphore, #tpu.memory_space<semaphore_mem>>
      %dma_start3A_86 = arith.constant 0 : i32
      %dma_start3A_87 = arith.constant 0 : i32
      %dma_start3A_88 = tpu.memref_slice %arg8[%dma_start3A_86, %dma_start3A_87] : memref<128x128xf32, #tpu.memory_space<vmem>> -> memref<120x128xf32, #tpu.memory_space<vmem>>
      %dma_start3A_89 = arith.constant 0 : i32
      %dma_start3A_90 = tpu.memref_slice %arg10[%add3A_40, %dma_start3A_89] : memref<10112x128xf32, #tpu.memory_space<vmem_shared>> -> memref<120x128xf32, #tpu.memory_space<vmem_shared>>
      %dma_start3A_91 = arith.constant 0 : i32
      %dma_start3A_92 = tpu.memref_slice %arg10[%add3A_40, %dma_start3A_91] : memref<10112x128xf32, #tpu.memory_space<vmem_shared>> -> memref<120x128xf32, #tpu.memory_space<vmem_shared>>
      %dma_start3A_93 = arith.constant 0 : i32
      %dma_start3A_94 = arith.constant 0 : i32
      %dma_start3A_95 = tpu.memref_slice %arg8[%dma_start3A_93, %dma_start3A_94] : memref<128x128xf32, #tpu.memory_space<vmem>> -> memref<120x128xf32, #tpu.memory_space<vmem>>
      tpu.enqueue_dma source(%dma_start3A_95 : memref<120x128xf32, #tpu.memory_space<vmem>>) target(%dma_start3A_92 : memref<120x128xf32, #tpu.memory_space<vmem_shared>>) target_semaphore(%run_scoped3A_85 : memref<!tpu.dma_semaphore, #tpu.memory_space<semaphore_mem>>)
      %dma_wait3A_96 = arith.constant 0 : i32
      %dma_wait3A_97 = arith.constant 0 : i32
      %dma_wait3A_98 = tpu.memref_slice %arg8[%dma_wait3A_96, %dma_wait3A_97] : memref<128x128xf32, #tpu.memory_space<vmem>> -> memref<120x128xf32, #tpu.memory_space<vmem>>
      %dma_wait3A_99 = arith.constant 0 : i32
      %dma_wait3A_100 = tpu.memref_slice %arg10[%add3A_40, %dma_wait3A_99] : memref<10112x128xf32, #tpu.memory_space<vmem_shared>> -> memref<120x128xf32, #tpu.memory_space<vmem_shared>>
      %dma_wait3A_101 = arith.constant 0 : i32
      %dma_wait3A_102 = tpu.memref_slice %arg10[%add3A_40, %dma_wait3A_101] : memref<10112x128xf32, #tpu.memory_space<vmem_shared>> -> memref<120x128xf32, #tpu.memory_space<vmem_shared>>
      %dma_wait3A_103 = arith.constant 0 : i32
      %dma_wait3A_104 = arith.constant 0 : i32
      %dma_wait3A_105 = tpu.memref_slice %arg8[%dma_wait3A_103, %dma_wait3A_104] : memref<128x128xf32, #tpu.memory_space<vmem>> -> memref<120x128xf32, #tpu.memory_space<vmem>>
      tpu.wait_dma2 semaphore(%run_scoped3A_85 : memref<!tpu.dma_semaphore, #tpu.memory_space<semaphore_mem>>) src(%dma_wait3A_105 : memref<120x128xf32, #tpu.memory_space<vmem>>) dst(%dma_wait3A_102 : memref<120x128xf32, #tpu.memory_space<vmem_shared>>)
      tpu.yield
    }) : () -> ()
    %dma_wait3A = arith.constant 0 : i32
    %dma_wait3A_41 = arith.constant 0 : i32
    %dma_wait3A_42 = tpu.memref_slice %arg3[%add3A, %dma_wait3A, %dma_wait3A_41] : memref<32x80x128xi32, #tpu.memory_space<hbm>> -> memref<1x80x128xi32, #tpu.memory_space<hbm>>
    %dma_wait3A_43 = tpu.memref_squeeze %dma_wait3A_42 : memref<1x80x128xi32, #tpu.memory_space<hbm>> -> memref<80x128xi32, #tpu.memory_space<hbm>>
    %dma_wait3A_44 = arith.constant 0 : i32
    %dma_wait3A_45 = arith.constant 0 : i32
    %dma_wait3A_46 = tpu.memref_slice %arg3[%add3A, %dma_wait3A_44, %dma_wait3A_45] : memref<32x80x128xi32, #tpu.memory_space<hbm>> -> memref<1x80x128xi32, #tpu.memory_space<hbm>>
    %dma_wait3A_47 = tpu.memref_squeeze %dma_wait3A_46 : memref<1x80x128xi32, #tpu.memory_space<hbm>> -> memref<80x128xi32, #tpu.memory_space<hbm>>
    tpu.wait_dma2 semaphore(%arg11 : memref<!tpu.dma_semaphore, #tpu.memory_space<semaphore_mem>>) src(%dma_wait3A_47 : memref<80x128xi32, #tpu.memory_space<hbm>>) dst(%arg6 : memref<80x128xi32, #tpu.memory_space<vmem>>)
    %barrier3A = arith.constant 0 : index
    tpu.barrier barrier_id(%barrier3A)
    %dma_start3A_48 = arith.constant 0 : i32
    %dma_start3A_49 = arith.constant 0 : i32
    %dma_start3A_50 = tpu.memref_slice %arg6[%dma_start3A_48, %dma_start3A_49] : memref<80x128xi32, #tpu.memory_space<vmem>> -> memref<1x128xi32, #tpu.memory_space<vmem>>
    %dma_start3A_51 = tpu.memref_squeeze %dma_start3A_50 : memref<1x128xi32, #tpu.memory_space<vmem>> -> memref<128xi32, #tpu.memory_space<vmem>>
    %dma_start3A_52 = arith.constant 0 : i32
    %dma_start3A_53 = arith.constant 0 : i32
    %dma_start3A_54 = tpu.memref_slice %arg2[%dma_start3A_52, %dma_start3A_53] : memref<10112x128xf32, #tpu.memory_space<hbm>> -> memref<10112x128xf32, #tpu.memory_space<hbm>>
    tpu.enqueue_indirect_dma source(%dma_start3A_54 : memref<10112x128xf32, #tpu.memory_space<hbm>>) target(%arg8 : memref<128x128xf32, #tpu.memory_space<vmem>>) offsets(%dma_start3A_51 : memref<128xi32, #tpu.memory_space<vmem>>) semaphore(%arg11 : memref<!tpu.dma_semaphore, #tpu.memory_space<semaphore_mem>>)
    %dma_start3A_55 = arith.constant 1 : i32
    %dma_start3A_56 = arith.constant 0 : i32
    %dma_start3A_57 = tpu.memref_slice %arg6[%dma_start3A_55, %dma_start3A_56] : memref<80x128xi32, #tpu.memory_space<vmem>> -> memref<1x128xi32, #tpu.memory_space<vmem>>
    %dma_start3A_58 = tpu.memref_squeeze %dma_start3A_57 : memref<1x128xi32, #tpu.memory_space<vmem>> -> memref<128xi32, #tpu.memory_space<vmem>>
    %dma_start3A_59 = arith.constant 0 : i32
    %dma_start3A_60 = arith.constant 0 : i32
    %dma_start3A_61 = tpu.memref_slice %arg2[%dma_start3A_59, %dma_start3A_60] : memref<10112x128xf32, #tpu.memory_space<hbm>> -> memref<10112x128xf32, #tpu.memory_space<hbm>>
    tpu.enqueue_indirect_dma source(%dma_start3A_61 : memref<10112x128xf32, #tpu.memory_space<hbm>>) target(%arg9 : memref<128x128xf32, #tpu.memory_space<vmem>>) offsets(%dma_start3A_58 : memref<128xi32, #tpu.memory_space<vmem>>) semaphore(%arg12 : memref<!tpu.dma_semaphore, #tpu.memory_space<semaphore_mem>>)
    %scan3A_62 = arith.constant 0 : i32
    %scan3A_63 = arith.constant 39 : i32
    %scan3A_64 = arith.addi %scan3A_62, %scan3A_63 : i32
    %scan3A_65 = arith.constant 1 : i32
    scf.for %scan3A_85 = %scan3A_62 to %scan3A_64 step %scan3A_65  : i32 {
      %mul3A_86 = arith.constant 1 : i32
      %mul3A_87 = arith.muli %scan3A_85, %mul3A_86 : i32
      %add3A_88 = arith.constant 0 : i32
      %add3A_89 = arith.addi %add3A_88, %mul3A_87 : i32
      %mul3A_90 = arith.constant 2 : i32
      %mul3A_91 = arith.muli %mul3A_90, %add3A_89 : i32
      %jit3A = arith.constant 16 : i32
      %div3A = arith.divsi %mul3A_91, %jit3A : i32
      %sign3A = arith.constant 0 : i32
      %sign3A_92 = arith.cmpi sgt, %mul3A_91, %sign3A : i32
      %sign3A_93 = arith.extui %sign3A_92 : i1 to i32
      %sign3A_94 = arith.constant 0 : i32
      %sign3A_95 = arith.cmpi slt, %mul3A_91, %sign3A_94 : i32
      %sign3A_96 = arith.extui %sign3A_95 : i1 to i32
      %sign3A_97 = arith.subi %sign3A_93, %sign3A_96 : i32
      %sign3A_98 = arith.constant 0 : i32
      %sign3A_99 = arith.cmpi sgt, %jit3A, %sign3A_98 : i32
      %sign3A_100 = arith.extui %sign3A_99 : i1 to i32
      %sign3A_101 = arith.constant 0 : i32
      %sign3A_102 = arith.cmpi slt, %jit3A, %sign3A_101 : i32
      %sign3A_103 = arith.extui %sign3A_102 : i1 to i32
      %sign3A_104 = arith.subi %sign3A_100, %sign3A_103 : i32
      %ne3A = arith.cmpi ne, %sign3A_97, %sign3A_104 : i32
      %rem3A = arith.remsi %mul3A_91, %jit3A : i32
      %ne3A_105 = arith.constant 0 : i32
      %ne3A_106 = arith.cmpi ne, %rem3A, %ne3A_105 : i32
      %and3A = arith.andi %ne3A, %ne3A_106 : i1
      %sub3A = arith.constant 1 : i32
      %sub3A_107 = arith.subi %div3A, %sub3A : i32
      %select_n3A = arith.select %and3A, %sub3A_107, %div3A : i32
      %jit3A_108 = arith.constant 16 : i32
      %eq3A = arith.constant 0 : i32
      %eq3A_109 = arith.cmpi eq, %jit3A_108, %eq3A : i32
      %jit3A_110 = arith.constant 1 : i32
      %select_n3A_111 = arith.select %eq3A_109, %jit3A_110, %jit3A_108 : i32
      %rem3A_112 = arith.remsi %mul3A_91, %select_n3A_111 : i32
      %ne3A_113 = arith.constant 0 : i32
      %ne3A_114 = arith.cmpi ne, %rem3A_112, %ne3A_113 : i32
      %lt3A = arith.constant 0 : i32
      %lt3A_115 = arith.cmpi slt, %rem3A_112, %lt3A : i32
      %lt3A_116 = arith.constant 0 : i32
      %lt3A_117 = arith.cmpi slt, %select_n3A_111, %lt3A_116 : i32
      %ne3A_118 = arith.xori %lt3A_115, %lt3A_117 : i1
      %and3A_119 = arith.andi %ne3A_118, %ne3A_114 : i1
      %add3A_120 = arith.addi %rem3A_112, %select_n3A_111 : i32
      %select_n3A_121 = arith.select %and3A_119, %add3A_120, %rem3A_112 : i32
      %eq3A_122 = arith.constant 0 : i32
      %eq3A_123 = arith.cmpi eq, %select_n3A_121, %eq3A_122 : i32
      %convert_element_type3A = arith.extui %eq3A_123 : i1 to i32
      %cond3A = arith.constant 0 : i32
      %cond3A_124 = arith.cmpi ne, %convert_element_type3A, %cond3A : i32
      scf.if %cond3A_124 {
        %jit3A_189 = arith.constant 2 : i32
        %eq3A_190 = arith.constant 0 : i32
        %eq3A_191 = arith.cmpi eq, %jit3A_189, %eq3A_190 : i32
        %jit3A_192 = arith.constant 1 : i32
        %select_n3A_193 = arith.select %eq3A_191, %jit3A_192, %jit3A_189 : i32
        %rem3A_194 = arith.remsi %select_n3A, %select_n3A_193 : i32
        %ne3A_195 = arith.constant 0 : i32
        %ne3A_196 = arith.cmpi ne, %rem3A_194, %ne3A_195 : i32
        %lt3A_197 = arith.constant 0 : i32
        %lt3A_198 = arith.cmpi slt, %rem3A_194, %lt3A_197 : i32
        %lt3A_199 = arith.constant 0 : i32
        %lt3A_200 = arith.cmpi slt, %select_n3A_193, %lt3A_199 : i32
        %ne3A_201 = arith.xori %lt3A_198, %lt3A_200 : i1
        %and3A_202 = arith.andi %ne3A_201, %ne3A_196 : i1
        %add3A_203 = arith.addi %rem3A_194, %select_n3A_193 : i32
        %select_n3A_204 = arith.select %and3A_202, %add3A_203, %rem3A_194 : i32
        %dma_wait3A_205 = arith.constant 0 : i32
        %dma_wait3A_206 = arith.constant 0 : i32
        %dma_wait3A_207 = tpu.memref_slice %arg7[%select_n3A_204, %dma_wait3A_205, %dma_wait3A_206] : memref<2x16x128xi32, #tpu.memory_space<vmem>> -> memref<1x16x128xi32, #tpu.memory_space<vmem>>
        %dma_wait3A_208 = tpu.memref_squeeze %dma_wait3A_207 : memref<1x16x128xi32, #tpu.memory_space<vmem>> -> memref<16x128xi32, #tpu.memory_space<vmem>>
        %dma_wait3A_209 = arith.constant 0 : i32
        %dma_wait3A_210 = arith.constant 0 : i32
        %dma_wait3A_211 = tpu.memref_slice %arg4[%add3A, %dma_wait3A_209, %dma_wait3A_210] : memref<32x80x128xi32, #tpu.memory_space<hbm>> -> memref<1x16x128xi32, #tpu.memory_space<hbm>>
        %dma_wait3A_212 = tpu.memref_squeeze %dma_wait3A_211 : memref<1x16x128xi32, #tpu.memory_space<hbm>> -> memref<16x128xi32, #tpu.memory_space<hbm>>
        %dma_wait3A_213 = arith.constant 0 : i32
        %dma_wait3A_214 = arith.constant 0 : i32
        %dma_wait3A_215 = tpu.memref_slice %arg7[%select_n3A_204, %dma_wait3A_213, %dma_wait3A_214] : memref<2x16x128xi32, #tpu.memory_space<vmem>> -> memref<1x16x128xi32, #tpu.memory_space<vmem>>
        %dma_wait3A_216 = tpu.memref_squeeze %dma_wait3A_215 : memref<1x16x128xi32, #tpu.memory_space<vmem>> -> memref<16x128xi32, #tpu.memory_space<vmem>>
        %dma_wait3A_217 = arith.constant 0 : i32
        %dma_wait3A_218 = arith.constant 0 : i32
        %dma_wait3A_219 = tpu.memref_slice %arg4[%add3A, %dma_wait3A_217, %dma_wait3A_218] : memref<32x80x128xi32, #tpu.memory_space<hbm>> -> memref<1x16x128xi32, #tpu.memory_space<hbm>>
        %dma_wait3A_220 = tpu.memref_squeeze %dma_wait3A_219 : memref<1x16x128xi32, #tpu.memory_space<hbm>> -> memref<16x128xi32, #tpu.memory_space<hbm>>
        tpu.wait_dma2 semaphore(%arg13 : memref<!tpu.dma_semaphore, #tpu.memory_space<semaphore_mem>>) src(%dma_wait3A_220 : memref<16x128xi32, #tpu.memory_space<hbm>>) dst(%dma_wait3A_216 : memref<16x128xi32, #tpu.memory_space<vmem>>)
        %add3A_221 = arith.constant 1 : i32
        %add3A_222 = arith.addi %select_n3A, %add3A_221 : i32
        %lt3A_223 = arith.constant 5 : i32
        %lt3A_224 = arith.cmpi slt, %add3A_222, %lt3A_223 : i32
        %convert_element_type3A_225 = arith.extui %lt3A_224 : i1 to i32
        %cond3A_226 = arith.constant 0 : i32
        %cond3A_227 = arith.cmpi ne, %convert_element_type3A_225, %cond3A_226 : i32
        scf.if %cond3A_227 {
          %add3A_228 = arith.constant 1 : i32
          %add3A_229 = arith.addi %select_n3A, %add3A_228 : i32
          %mul3A_230 = arith.constant 16 : i32
          %mul3A_231 = arith.muli %add3A_229, %mul3A_230 : i32
          %add3A_232 = arith.constant 1 : i32
          %add3A_233 = arith.addi %select_n3A, %add3A_232 : i32
          %jit3A_234 = arith.constant 2 : i32
          %eq3A_235 = arith.constant 0 : i32
          %eq3A_236 = arith.cmpi eq, %jit3A_234, %eq3A_235 : i32
          %jit3A_237 = arith.constant 1 : i32
          %select_n3A_238 = arith.select %eq3A_236, %jit3A_237, %jit3A_234 : i32
          %rem3A_239 = arith.remsi %add3A_233, %select_n3A_238 : i32
          %ne3A_240 = arith.constant 0 : i32
          %ne3A_241 = arith.cmpi ne, %rem3A_239, %ne3A_240 : i32
          %lt3A_242 = arith.constant 0 : i32
          %lt3A_243 = arith.cmpi slt, %rem3A_239, %lt3A_242 : i32
          %lt3A_244 = arith.constant 0 : i32
          %lt3A_245 = arith.cmpi slt, %select_n3A_238, %lt3A_244 : i32
          %ne3A_246 = arith.xori %lt3A_243, %lt3A_245 : i1
          %and3A_247 = arith.andi %ne3A_246, %ne3A_241 : i1
          %add3A_248 = arith.addi %rem3A_239, %select_n3A_238 : i32
          %select_n3A_249 = arith.select %and3A_247, %add3A_248, %rem3A_239 : i32
          %dma_start3A_250 = arith.constant 0 : i32
          %dma_start3A_251 = arith.constant 0 : i32
          %dma_start3A_252 = tpu.memref_slice %arg7[%select_n3A_249, %dma_start3A_250, %dma_start3A_251] : memref<2x16x128xi32, #tpu.memory_space<vmem>> -> memref<1x16x128xi32, #tpu.memory_space<vmem>>
          %dma_start3A_253 = tpu.memref_squeeze %dma_start3A_252 : memref<1x16x128xi32, #tpu.memory_space<vmem>> -> memref<16x128xi32, #tpu.memory_space<vmem>>
          %dma_start3A_254 = arith.constant 0 : i32
          %dma_start3A_255 = tpu.memref_slice %arg4[%add3A, %mul3A_231, %dma_start3A_254] : memref<32x80x128xi32, #tpu.memory_space<hbm>> -> memref<1x16x128xi32, #tpu.memory_space<hbm>>
          %dma_start3A_256 = tpu.memref_squeeze %dma_start3A_255 : memref<1x16x128xi32, #tpu.memory_space<hbm>> -> memref<16x128xi32, #tpu.memory_space<hbm>>
          %dma_start3A_257 = arith.constant 0 : i32
          %dma_start3A_258 = arith.constant 0 : i32
          %dma_start3A_259 = tpu.memref_slice %arg7[%select_n3A_249, %dma_start3A_257, %dma_start3A_258] : memref<2x16x128xi32, #tpu.memory_space<vmem>> -> memref<1x16x128xi32, #tpu.memory_space<vmem>>
          %dma_start3A_260 = tpu.memref_squeeze %dma_start3A_259 : memref<1x16x128xi32, #tpu.memory_space<vmem>> -> memref<16x128xi32, #tpu.memory_space<vmem>>
          %dma_start3A_261 = arith.constant 0 : i32
          %dma_start3A_262 = tpu.memref_slice %arg4[%add3A, %mul3A_231, %dma_start3A_261] : memref<32x80x128xi32, #tpu.memory_space<hbm>> -> memref<1x16x128xi32, #tpu.memory_space<hbm>>
          %dma_start3A_263 = tpu.memref_squeeze %dma_start3A_262 : memref<1x16x128xi32, #tpu.memory_space<hbm>> -> memref<16x128xi32, #tpu.memory_space<hbm>>
          tpu.enqueue_dma source(%dma_start3A_263 : memref<16x128xi32, #tpu.memory_space<hbm>>) target(%dma_start3A_260 : memref<16x128xi32, #tpu.memory_space<vmem>>) target_semaphore(%arg13 : memref<!tpu.dma_semaphore, #tpu.memory_space<semaphore_mem>>)
        } else {
        }
      } else {
      }
      %dma_wait3A_125 = arith.constant 0 : i32
      %dma_wait3A_126 = tpu.memref_slice %arg6[%mul3A_91, %dma_wait3A_125] : memref<80x128xi32, #tpu.memory_space<vmem>> -> memref<1x128xi32, #tpu.memory_space<vmem>>
      %dma_wait3A_127 = tpu.memref_squeeze %dma_wait3A_126 : memref<1x128xi32, #tpu.memory_space<vmem>> -> memref<128xi32, #tpu.memory_space<vmem>>
      %dma_wait3A_128 = arith.constant 0 : i32
      %dma_wait3A_129 = arith.constant 0 : i32
      %dma_wait3A_130 = tpu.memref_slice %arg2[%dma_wait3A_128, %dma_wait3A_129] : memref<10112x128xf32, #tpu.memory_space<hbm>> -> memref<10112x128xf32, #tpu.memory_space<hbm>>
      tpu.wait_indirect_dma semaphore(%arg11 : memref<!tpu.dma_semaphore, #tpu.memory_space<semaphore_mem>>) src(%dma_wait3A_130 : memref<10112x128xf32, #tpu.memory_space<hbm>>) dst(%arg8 : memref<128x128xf32, #tpu.memory_space<vmem>>)
      %jit3A_131 = arith.constant 2 : i32
      %eq3A_132 = arith.constant 0 : i32
      %eq3A_133 = arith.cmpi eq, %jit3A_131, %eq3A_132 : i32
      %jit3A_134 = arith.constant 1 : i32
      %select_n3A_135 = arith.select %eq3A_133, %jit3A_134, %jit3A_131 : i32
      %rem3A_136 = arith.remsi %select_n3A, %select_n3A_135 : i32
      %ne3A_137 = arith.constant 0 : i32
      %ne3A_138 = arith.cmpi ne, %rem3A_136, %ne3A_137 : i32
      %lt3A_139 = arith.constant 0 : i32
      %lt3A_140 = arith.cmpi slt, %rem3A_136, %lt3A_139 : i32
      %lt3A_141 = arith.constant 0 : i32
      %lt3A_142 = arith.cmpi slt, %select_n3A_135, %lt3A_141 : i32
      %ne3A_143 = arith.xori %lt3A_140, %lt3A_142 : i1
      %and3A_144 = arith.andi %ne3A_143, %ne3A_138 : i1
      %add3A_145 = arith.addi %rem3A_136, %select_n3A_135 : i32
      %select_n3A_146 = arith.select %and3A_144, %add3A_145, %rem3A_136 : i32
      "tpu.region"() ({
        %run_scoped3A_189 = tpu.sem_alloc : memref<!tpu.dma_semaphore, #tpu.memory_space<semaphore_mem>>
        %dma_start3A_190 = arith.constant 0 : i32
        %dma_start3A_191 = tpu.memref_slice %arg7[%select_n3A_146, %select_n3A_121, %dma_start3A_190] : memref<2x16x128xi32, #tpu.memory_space<vmem>> -> memref<1x1x128xi32, #tpu.memory_space<vmem>>
        %dma_start3A_192 = tpu.memref_squeeze %dma_start3A_191 : memref<1x1x128xi32, #tpu.memory_space<vmem>> -> memref<128xi32, #tpu.memory_space<vmem>>
        %dma_start3A_193 = arith.constant 0 : i32
        %dma_start3A_194 = arith.constant 0 : i32
        %dma_start3A_195 = tpu.memref_slice %arg10[%dma_start3A_193, %dma_start3A_194] : memref<10112x128xf32, #tpu.memory_space<vmem_shared>> -> memref<10112x128xf32, #tpu.memory_space<vmem_shared>>
        tpu.enqueue_indirect_dma source(%arg8 : memref<128x128xf32, #tpu.memory_space<vmem>>) target(%dma_start3A_195 : memref<10112x128xf32, #tpu.memory_space<vmem_shared>>) offsets(%dma_start3A_192 : memref<128xi32, #tpu.memory_space<vmem>>) semaphore(%run_scoped3A_189 : memref<!tpu.dma_semaphore, #tpu.memory_space<semaphore_mem>>) {add = true}
        %dma_wait3A_196 = arith.constant 0 : i32
        %dma_wait3A_197 = tpu.memref_slice %arg7[%select_n3A_146, %select_n3A_121, %dma_wait3A_196] : memref<2x16x128xi32, #tpu.memory_space<vmem>> -> memref<1x1x128xi32, #tpu.memory_space<vmem>>
        %dma_wait3A_198 = tpu.memref_squeeze %dma_wait3A_197 : memref<1x1x128xi32, #tpu.memory_space<vmem>> -> memref<128xi32, #tpu.memory_space<vmem>>
        %dma_wait3A_199 = arith.constant 0 : i32
        %dma_wait3A_200 = arith.constant 0 : i32
        %dma_wait3A_201 = tpu.memref_slice %arg10[%dma_wait3A_199, %dma_wait3A_200] : memref<10112x128xf32, #tpu.memory_space<vmem_shared>> -> memref<10112x128xf32, #tpu.memory_space<vmem_shared>>
        tpu.wait_indirect_dma semaphore(%run_scoped3A_189 : memref<!tpu.dma_semaphore, #tpu.memory_space<semaphore_mem>>) src(%arg8 : memref<128x128xf32, #tpu.memory_space<vmem>>) dst(%dma_wait3A_201 : memref<10112x128xf32, #tpu.memory_space<vmem_shared>>)
        tpu.yield
      }) : () -> ()
      %add3A_147 = arith.constant 2 : i32
      %add3A_148 = arith.addi %mul3A_91, %add3A_147 : i32
      %dma_start3A_149 = arith.constant 0 : i32
      %dma_start3A_150 = tpu.memref_slice %arg6[%add3A_148, %dma_start3A_149] : memref<80x128xi32, #tpu.memory_space<vmem>> -> memref<1x128xi32, #tpu.memory_space<vmem>>
      %dma_start3A_151 = tpu.memref_squeeze %dma_start3A_150 : memref<1x128xi32, #tpu.memory_space<vmem>> -> memref<128xi32, #tpu.memory_space<vmem>>
      %dma_start3A_152 = arith.constant 0 : i32
      %dma_start3A_153 = arith.constant 0 : i32
      %dma_start3A_154 = tpu.memref_slice %arg2[%dma_start3A_152, %dma_start3A_153] : memref<10112x128xf32, #tpu.memory_space<hbm>> -> memref<10112x128xf32, #tpu.memory_space<hbm>>
      tpu.enqueue_indirect_dma source(%dma_start3A_154 : memref<10112x128xf32, #tpu.memory_space<hbm>>) target(%arg8 : memref<128x128xf32, #tpu.memory_space<vmem>>) offsets(%dma_start3A_151 : memref<128xi32, #tpu.memory_space<vmem>>) semaphore(%arg11 : memref<!tpu.dma_semaphore, #tpu.memory_space<semaphore_mem>>)
      %add3A_155 = arith.constant 1 : i32
      %add3A_156 = arith.addi %mul3A_91, %add3A_155 : i32
      %dma_wait3A_157 = arith.constant 0 : i32
      %dma_wait3A_158 = tpu.memref_slice %arg6[%add3A_156, %dma_wait3A_157] : memref<80x128xi32, #tpu.memory_space<vmem>> -> memref<1x128xi32, #tpu.memory_space<vmem>>
      %dma_wait3A_159 = tpu.memref_squeeze %dma_wait3A_158 : memref<1x128xi32, #tpu.memory_space<vmem>> -> memref<128xi32, #tpu.memory_space<vmem>>
      %dma_wait3A_160 = arith.constant 0 : i32
      %dma_wait3A_161 = arith.constant 0 : i32
      %dma_wait3A_162 = tpu.memref_slice %arg2[%dma_wait3A_160, %dma_wait3A_161] : memref<10112x128xf32, #tpu.memory_space<hbm>> -> memref<10112x128xf32, #tpu.memory_space<hbm>>
      tpu.wait_indirect_dma semaphore(%arg12 : memref<!tpu.dma_semaphore, #tpu.memory_space<semaphore_mem>>) src(%dma_wait3A_162 : memref<10112x128xf32, #tpu.memory_space<hbm>>) dst(%arg9 : memref<128x128xf32, #tpu.memory_space<vmem>>)
      %jit3A_163 = arith.constant 2 : i32
      %eq3A_164 = arith.constant 0 : i32
      %eq3A_165 = arith.cmpi eq, %jit3A_163, %eq3A_164 : i32
      %jit3A_166 = arith.constant 1 : i32
      %select_n3A_167 = arith.select %eq3A_165, %jit3A_166, %jit3A_163 : i32
      %rem3A_168 = arith.remsi %select_n3A, %select_n3A_167 : i32
      %ne3A_169 = arith.constant 0 : i32
      %ne3A_170 = arith.cmpi ne, %rem3A_168, %ne3A_169 : i32
      %lt3A_171 = arith.constant 0 : i32
      %lt3A_172 = arith.cmpi slt, %rem3A_168, %lt3A_171 : i32
      %lt3A_173 = arith.constant 0 : i32
      %lt3A_174 = arith.cmpi slt, %select_n3A_167, %lt3A_173 : i32
      %ne3A_175 = arith.xori %lt3A_172, %lt3A_174 : i1
      %and3A_176 = arith.andi %ne3A_175, %ne3A_170 : i1
      %add3A_177 = arith.addi %rem3A_168, %select_n3A_167 : i32
      %select_n3A_178 = arith.select %and3A_176, %add3A_177, %rem3A_168 : i32
      %add3A_179 = arith.constant 1 : i32
      %add3A_180 = arith.addi %select_n3A_121, %add3A_179 : i32
      "tpu.region"() ({
        %run_scoped3A_189 = tpu.sem_alloc : memref<!tpu.dma_semaphore, #tpu.memory_space<semaphore_mem>>
        %dma_start3A_190 = arith.constant 0 : i32
        %dma_start3A_191 = tpu.memref_slice %arg7[%select_n3A_178, %add3A_180, %dma_start3A_190] : memref<2x16x128xi32, #tpu.memory_space<vmem>> -> memref<1x1x128xi32, #tpu.memory_space<vmem>>
        %dma_start3A_192 = tpu.memref_squeeze %dma_start3A_191 : memref<1x1x128xi32, #tpu.memory_space<vmem>> -> memref<128xi32, #tpu.memory_space<vmem>>
        %dma_start3A_193 = arith.constant 0 : i32
        %dma_start3A_194 = arith.constant 0 : i32
        %dma_start3A_195 = tpu.memref_slice %arg10[%dma_start3A_193, %dma_start3A_194] : memref<10112x128xf32, #tpu.memory_space<vmem_shared>> -> memref<10112x128xf32, #tpu.memory_space<vmem_shared>>
        tpu.enqueue_indirect_dma source(%arg9 : memref<128x128xf32, #tpu.memory_space<vmem>>) target(%dma_start3A_195 : memref<10112x128xf32, #tpu.memory_space<vmem_shared>>) offsets(%dma_start3A_192 : memref<128xi32, #tpu.memory_space<vmem>>) semaphore(%run_scoped3A_189 : memref<!tpu.dma_semaphore, #tpu.memory_space<semaphore_mem>>) {add = true}
        %dma_wait3A_196 = arith.constant 0 : i32
        %dma_wait3A_197 = tpu.memref_slice %arg7[%select_n3A_178, %add3A_180, %dma_wait3A_196] : memref<2x16x128xi32, #tpu.memory_space<vmem>> -> memref<1x1x128xi32, #tpu.memory_space<vmem>>
        %dma_wait3A_198 = tpu.memref_squeeze %dma_wait3A_197 : memref<1x1x128xi32, #tpu.memory_space<vmem>> -> memref<128xi32, #tpu.memory_space<vmem>>
        %dma_wait3A_199 = arith.constant 0 : i32
        %dma_wait3A_200 = arith.constant 0 : i32
        %dma_wait3A_201 = tpu.memref_slice %arg10[%dma_wait3A_199, %dma_wait3A_200] : memref<10112x128xf32, #tpu.memory_space<vmem_shared>> -> memref<10112x128xf32, #tpu.memory_space<vmem_shared>>
        tpu.wait_indirect_dma semaphore(%run_scoped3A_189 : memref<!tpu.dma_semaphore, #tpu.memory_space<semaphore_mem>>) src(%arg9 : memref<128x128xf32, #tpu.memory_space<vmem>>) dst(%dma_wait3A_201 : memref<10112x128xf32, #tpu.memory_space<vmem_shared>>)
        tpu.yield
      }) : () -> ()
      %add3A_181 = arith.constant 3 : i32
      %add3A_182 = arith.addi %mul3A_91, %add3A_181 : i32
      %dma_start3A_183 = arith.constant 0 : i32
      %dma_start3A_184 = tpu.memref_slice %arg6[%add3A_182, %dma_start3A_183] : memref<80x128xi32, #tpu.memory_space<vmem>> -> memref<1x128xi32, #tpu.memory_space<vmem>>
      %dma_start3A_185 = tpu.memref_squeeze %dma_start3A_184 : memref<1x128xi32, #tpu.memory_space<vmem>> -> memref<128xi32, #tpu.memory_space<vmem>>
      %dma_start3A_186 = arith.constant 0 : i32
      %dma_start3A_187 = arith.constant 0 : i32
      %dma_start3A_188 = tpu.memref_slice %arg2[%dma_start3A_186, %dma_start3A_187] : memref<10112x128xf32, #tpu.memory_space<hbm>> -> memref<10112x128xf32, #tpu.memory_space<hbm>>
      tpu.enqueue_indirect_dma source(%dma_start3A_188 : memref<10112x128xf32, #tpu.memory_space<hbm>>) target(%arg9 : memref<128x128xf32, #tpu.memory_space<vmem>>) offsets(%dma_start3A_185 : memref<128xi32, #tpu.memory_space<vmem>>) semaphore(%arg12 : memref<!tpu.dma_semaphore, #tpu.memory_space<semaphore_mem>>)
    }
    %scan3A_66 = arith.constant 39 : i32
    %dma_wait3A_67 = arith.constant 78 : i32
    %dma_wait3A_68 = arith.constant 0 : i32
    %dma_wait3A_69 = tpu.memref_slice %arg6[%dma_wait3A_67, %dma_wait3A_68] : memref<80x128xi32, #tpu.memory_space<vmem>> -> memref<1x128xi32, #tpu.memory_space<vmem>>
    %dma_wait3A_70 = tpu.memref_squeeze %dma_wait3A_69 : memref<1x128xi32, #tpu.memory_space<vmem>> -> memref<128xi32, #tpu.memory_space<vmem>>
    %dma_wait3A_71 = arith.constant 0 : i32
    %dma_wait3A_72 = arith.constant 0 : i32
    %dma_wait3A_73 = tpu.memref_slice %arg2[%dma_wait3A_71, %dma_wait3A_72] : memref<10112x128xf32, #tpu.memory_space<hbm>> -> memref<10112x128xf32, #tpu.memory_space<hbm>>
    tpu.wait_indirect_dma semaphore(%arg11 : memref<!tpu.dma_semaphore, #tpu.memory_space<semaphore_mem>>) src(%dma_wait3A_73 : memref<10112x128xf32, #tpu.memory_space<hbm>>) dst(%arg8 : memref<128x128xf32, #tpu.memory_space<vmem>>)
    %run_scoped3A = arith.constant 0 : i32
    %run_scoped3A_74 = arith.constant 14 : i32
    "tpu.region"() ({
      %run_scoped3A_85 = tpu.sem_alloc : memref<!tpu.dma_semaphore, #tpu.memory_space<semaphore_mem>>
      %dma_start3A_86 = arith.constant 0 : i32
      %dma_start3A_87 = tpu.memref_slice %arg7[%run_scoped3A, %run_scoped3A_74, %dma_start3A_86] : memref<2x16x128xi32, #tpu.memory_space<vmem>> -> memref<1x1x128xi32, #tpu.memory_space<vmem>>
      %dma_start3A_88 = tpu.memref_squeeze %dma_start3A_87 : memref<1x1x128xi32, #tpu.memory_space<vmem>> -> memref<128xi32, #tpu.memory_space<vmem>>
      %dma_start3A_89 = arith.constant 0 : i32
      %dma_start3A_90 = arith.constant 0 : i32
      %dma_start3A_91 = tpu.memref_slice %arg10[%dma_start3A_89, %dma_start3A_90] : memref<10112x128xf32, #tpu.memory_space<vmem_shared>> -> memref<10112x128xf32, #tpu.memory_space<vmem_shared>>
      tpu.enqueue_indirect_dma source(%arg8 : memref<128x128xf32, #tpu.memory_space<vmem>>) target(%dma_start3A_91 : memref<10112x128xf32, #tpu.memory_space<vmem_shared>>) offsets(%dma_start3A_88 : memref<128xi32, #tpu.memory_space<vmem>>) semaphore(%run_scoped3A_85 : memref<!tpu.dma_semaphore, #tpu.memory_space<semaphore_mem>>) {add = true}
      %dma_wait3A_92 = arith.constant 0 : i32
      %dma_wait3A_93 = tpu.memref_slice %arg7[%run_scoped3A, %run_scoped3A_74, %dma_wait3A_92] : memref<2x16x128xi32, #tpu.memory_space<vmem>> -> memref<1x1x128xi32, #tpu.memory_space<vmem>>
      %dma_wait3A_94 = tpu.memref_squeeze %dma_wait3A_93 : memref<1x1x128xi32, #tpu.memory_space<vmem>> -> memref<128xi32, #tpu.memory_space<vmem>>
      %dma_wait3A_95 = arith.constant 0 : i32
      %dma_wait3A_96 = arith.constant 0 : i32
      %dma_wait3A_97 = tpu.memref_slice %arg10[%dma_wait3A_95, %dma_wait3A_96] : memref<10112x128xf32, #tpu.memory_space<vmem_shared>> -> memref<10112x128xf32, #tpu.memory_space<vmem_shared>>
      tpu.wait_indirect_dma semaphore(%run_scoped3A_85 : memref<!tpu.dma_semaphore, #tpu.memory_space<semaphore_mem>>) src(%arg8 : memref<128x128xf32, #tpu.memory_space<vmem>>) dst(%dma_wait3A_97 : memref<10112x128xf32, #tpu.memory_space<vmem_shared>>)
      tpu.yield
    }) : () -> ()
    %dma_wait3A_75 = arith.constant 79 : i32
    %dma_wait3A_76 = arith.constant 0 : i32
    %dma_wait3A_77 = tpu.memref_slice %arg6[%dma_wait3A_75, %dma_wait3A_76] : memref<80x128xi32, #tpu.memory_space<vmem>> -> memref<1x128xi32, #tpu.memory_space<vmem>>
    %dma_wait3A_78 = tpu.memref_squeeze %dma_wait3A_77 : memref<1x128xi32, #tpu.memory_space<vmem>> -> memref<128xi32, #tpu.memory_space<vmem>>
    %dma_wait3A_79 = arith.constant 0 : i32
    %dma_wait3A_80 = arith.constant 0 : i32
    %dma_wait3A_81 = tpu.memref_slice %arg2[%dma_wait3A_79, %dma_wait3A_80] : memref<10112x128xf32, #tpu.memory_space<hbm>> -> memref<10112x128xf32, #tpu.memory_space<hbm>>
    tpu.wait_indirect_dma semaphore(%arg12 : memref<!tpu.dma_semaphore, #tpu.memory_space<semaphore_mem>>) src(%dma_wait3A_81 : memref<10112x128xf32, #tpu.memory_space<hbm>>) dst(%arg9 : memref<128x128xf32, #tpu.memory_space<vmem>>)
    %run_scoped3A_82 = arith.constant 0 : i32
    %run_scoped3A_83 = arith.constant 15 : i32
    "tpu.region"() ({
      %run_scoped3A_85 = tpu.sem_alloc : memref<!tpu.dma_semaphore, #tpu.memory_space<semaphore_mem>>
      %dma_start3A_86 = arith.constant 0 : i32
      %dma_start3A_87 = tpu.memref_slice %arg7[%run_scoped3A_82, %run_scoped3A_83, %dma_start3A_86] : memref<2x16x128xi32, #tpu.memory_space<vmem>> -> memref<1x1x128xi32, #tpu.memory_space<vmem>>
      %dma_start3A_88 = tpu.memref_squeeze %dma_start3A_87 : memref<1x1x128xi32, #tpu.memory_space<vmem>> -> memref<128xi32, #tpu.memory_space<vmem>>
      %dma_start3A_89 = arith.constant 0 : i32
      %dma_start3A_90 = arith.constant 0 : i32
      %dma_start3A_91 = tpu.memref_slice %arg10[%dma_start3A_89, %dma_start3A_90] : memref<10112x128xf32, #tpu.memory_space<vmem_shared>> -> memref<10112x128xf32, #tpu.memory_space<vmem_shared>>
      tpu.enqueue_indirect_dma source(%arg9 : memref<128x128xf32, #tpu.memory_space<vmem>>) target(%dma_start3A_91 : memref<10112x128xf32, #tpu.memory_space<vmem_shared>>) offsets(%dma_start3A_88 : memref<128xi32, #tpu.memory_space<vmem>>) semaphore(%run_scoped3A_85 : memref<!tpu.dma_semaphore, #tpu.memory_space<semaphore_mem>>) {add = true}
      %dma_wait3A_92 = arith.constant 0 : i32
      %dma_wait3A_93 = tpu.memref_slice %arg7[%run_scoped3A_82, %run_scoped3A_83, %dma_wait3A_92] : memref<2x16x128xi32, #tpu.memory_space<vmem>> -> memref<1x1x128xi32, #tpu.memory_space<vmem>>
      %dma_wait3A_94 = tpu.memref_squeeze %dma_wait3A_93 : memref<1x1x128xi32, #tpu.memory_space<vmem>> -> memref<128xi32, #tpu.memory_space<vmem>>
      %dma_wait3A_95 = arith.constant 0 : i32
      %dma_wait3A_96 = arith.constant 0 : i32
      %dma_wait3A_97 = tpu.memref_slice %arg10[%dma_wait3A_95, %dma_wait3A_96] : memref<10112x128xf32, #tpu.memory_space<vmem_shared>> -> memref<10112x128xf32, #tpu.memory_space<vmem_shared>>
      tpu.wait_indirect_dma semaphore(%run_scoped3A_85 : memref<!tpu.dma_semaphore, #tpu.memory_space<semaphore_mem>>) src(%arg9 : memref<128x128xf32, #tpu.memory_space<vmem>>) dst(%dma_wait3A_97 : memref<10112x128xf32, #tpu.memory_space<vmem_shared>>)
      tpu.yield
    }) : () -> ()
    %barrier3A_84 = arith.constant 0 : index
    tpu.barrier barrier_id(%barrier3A_84)
    "tpu.region"() ({
      %run_scoped3A_85 = tpu.sem_alloc : memref<!tpu.dma_semaphore, #tpu.memory_space<semaphore_mem>>
      %dma_start3A_86 = arith.constant 0 : i32
      %dma_start3A_87 = tpu.memref_slice %arg5[%arg0, %mul3A_2, %dma_start3A_86] : memref<2x10112x128xf32, #tpu.memory_space<hbm>> -> memref<1x632x128xf32, #tpu.memory_space<hbm>>
      %dma_start3A_88 = tpu.memref_squeeze %dma_start3A_87 : memref<1x632x128xf32, #tpu.memory_space<hbm>> -> memref<632x128xf32, #tpu.memory_space<hbm>>
      %dma_start3A_89 = arith.constant 0 : i32
      %dma_start3A_90 = tpu.memref_slice %arg10[%mul3A_2, %dma_start3A_89] : memref<10112x128xf32, #tpu.memory_space<vmem_shared>> -> memref<632x128xf32, #tpu.memory_space<vmem_shared>>
      tpu.enqueue_dma source(%dma_start3A_90 : memref<632x128xf32, #tpu.memory_space<vmem_shared>>) target(%dma_start3A_88 : memref<632x128xf32, #tpu.memory_space<hbm>>) target_semaphore(%run_scoped3A_85 : memref<!tpu.dma_semaphore, #tpu.memory_space<semaphore_mem>>)
      %dma_wait3A_91 = arith.constant 0 : i32
      %dma_wait3A_92 = tpu.memref_slice %arg5[%arg0, %mul3A_2, %dma_wait3A_91] : memref<2x10112x128xf32, #tpu.memory_space<hbm>> -> memref<1x632x128xf32, #tpu.memory_space<hbm>>
      %dma_wait3A_93 = tpu.memref_squeeze %dma_wait3A_92 : memref<1x632x128xf32, #tpu.memory_space<hbm>> -> memref<632x128xf32, #tpu.memory_space<hbm>>
      %dma_wait3A_94 = arith.constant 0 : i32
      %dma_wait3A_95 = tpu.memref_slice %arg10[%mul3A_2, %dma_wait3A_94] : memref<10112x128xf32, #tpu.memory_space<vmem_shared>> -> memref<632x128xf32, #tpu.memory_space<vmem_shared>>
      tpu.wait_dma2 semaphore(%run_scoped3A_85 : memref<!tpu.dma_semaphore, #tpu.memory_space<semaphore_mem>>) src(%dma_wait3A_95 : memref<632x128xf32, #tpu.memory_space<vmem_shared>>) dst(%dma_wait3A_93 : memref<632x128xf32, #tpu.memory_space<hbm>>)
      tpu.yield
    }) : () -> ()
    return
  }
}

module attributes {stable_mosaic.version = 14 : i64} {
  func.func @body(%arg0: memref<32x10112xf32, #tpu.memory_space<vmem>>, %arg1: memref<10000x128xf32, #tpu.memory_space<vmem>>, %arg2: memref<128x128xf32, #tpu.memory_space<vmem>>, %arg3: memref<1x128xf32, #tpu.memory_space<vmem>>, %arg4: memref<10112x128xf32, #tpu.memory_space<vmem>>, %arg5: memref<10112x16xf32, #tpu.memory_space<vmem>>) attributes {dimension_semantics = [], scalar_prefetch = 0 : i64, scratch_operands = 0 : i64, tpu.core_type = #tpu.core_type<tc>} {
    %get3A = arith.constant 0 : index
    %get3A_0 = arith.constant 0 : index
    %get3A_1 = vector.load %arg0[%get3A, %get3A_0] : memref<32x10112xf32, #tpu.memory_space<vmem>>, vector<32x10112xf32>
    %reduce_sum3A = arith.constant dense<0.000000e+00> : vector<10112xf32>
    %reduce_sum3A_2 = vector.multi_reduction <add>, %get3A_1, %reduce_sum3A [0] : vector<32x10112xf32> to vector<10112xf32>
    %broadcast_in_dim3A = vector.shape_cast %reduce_sum3A_2 : vector<10112xf32> to vector<1x10112xf32>
    %add3A = arith.constant 1.000000e+00 : f32
    %add3A_3 = vector.broadcast %add3A : f32 to vector<1x10112xf32>
    %add3A_4 = arith.addf %broadcast_in_dim3A, %add3A_3 : vector<1x10112xf32>
    %rsqrt3A = math.rsqrt %add3A_4 : vector<1x10112xf32>
    %iota3A = tpu.iota {dimensions = array<i32: 1>} : vector<1x10112xi32>
    %lt3A = arith.constant 10000 : i32
    %lt3A_5 = vector.broadcast %lt3A : i32 to vector<1x10112xi32>
    %lt3A_6 = arith.cmpi slt, %iota3A, %lt3A_5 : vector<1x10112xi32>
    %jit3A = arith.constant 0.000000e+00 : f32
    %broadcast_in_dim3A_7 = vector.broadcast %jit3A : f32 to vector<1x10112xf32>
    %select_n3A = arith.select %lt3A_6, %rsqrt3A, %broadcast_in_dim3A_7 : vector<1x10112xi1>, vector<1x10112xf32>
    %transpose3A = tpu.transpose %select_n3A, [1, 0] : vector<1x10112xf32> -> vector<10112x1xf32>
    %get3A_8 = arith.constant 0 : index
    %get3A_9 = arith.constant 0 : index
    %get3A_10 = vector.load %arg1[%get3A_8, %get3A_9] : memref<10000x128xf32, #tpu.memory_space<vmem>>, vector<10000x128xf32>
    %get3A_11 = arith.constant 0 : index
    %get3A_12 = arith.constant 0 : index
    %get3A_13 = vector.load %arg2[%get3A_11, %get3A_12] : memref<128x128xf32, #tpu.memory_space<vmem>>, vector<128x128xf32>
    %dot_general3A = arith.constant dense<0.000000e+00> : vector<10000x128xf32>
    %dot_general3A_14 = tpu.matmul %get3A_10, %get3A_13, %dot_general3A {dimension_numbers = #tpu.dot_dimension_numbers<[1], [0], [0], [1], [0, 0, 1, 1], [], []>, transpose_lhs_hint = false} : vector<10000x128xf32>, vector<128x128xf32>, vector<10000x128xf32> -> vector<10000x128xf32>
    %get3A_15 = arith.constant 0 : index
    %get3A_16 = arith.constant 0 : index
    %get3A_17 = vector.load %arg3[%get3A_15, %get3A_16] : memref<1x128xf32, #tpu.memory_space<vmem>>, vector<1x128xf32>
    %add3A_18 = vector.broadcast %get3A_17 : vector<1x128xf32> to vector<10000x128xf32>
    %add3A_19 = arith.addf %dot_general3A_14, %add3A_18 : vector<10000x128xf32>
    %slice3A = vector.extract_strided_slice %transpose3A {offsets = [0, 0], sizes = [10000, 1], strides = [1, 1]} : vector<10112x1xf32> to vector<10000x1xf32>
    %mul3A = vector.broadcast %slice3A : vector<10000x1xf32> to vector<10000x128xf32>
    %mul3A_20 = arith.mulf %add3A_19, %mul3A : vector<10000x128xf32>
    %broadcast_in_dim3A_21 = arith.constant 0.000000e+00 : f32
    %broadcast_in_dim3A_22 = vector.broadcast %broadcast_in_dim3A_21 : f32 to vector<112x128xf32>
    %concatenate3A = tpu.concatenate %mul3A_20, %broadcast_in_dim3A_22 in 0 : vector<10000x128xf32>, vector<112x128xf32> -> vector<10112x128xf32>
    %swap3A = arith.constant 0 : index
    %swap3A_23 = arith.constant 0 : index
    %swap3A_24 = vector.load %arg4[%swap3A, %swap3A_23] : memref<10112x128xf32, #tpu.memory_space<vmem>>, vector<10112x128xf32>
    tpu.vector_store %arg4[%swap3A, %swap3A_23], %concatenate3A {strides = array<i32>} : memref<10112x128xf32, #tpu.memory_space<vmem>>, vector<10112x128xf32>,
    %broadcast_in_dim3A_25 = vector.shape_cast %transpose3A : vector<10112x1xf32> to vector<10112x1xf32>
    %broadcast_in_dim3A_26 = vector.broadcast %broadcast_in_dim3A_25 : vector<10112x1xf32> to vector<10112x16xf32>
    %swap3A_27 = arith.constant 0 : index
    %swap3A_28 = arith.constant 0 : index
    %swap3A_29 = vector.load %arg5[%swap3A_27, %swap3A_28] : memref<10112x16xf32, #tpu.memory_space<vmem>>, vector<10112x16xf32>
    tpu.vector_store %arg5[%swap3A_27, %swap3A_28], %broadcast_in_dim3A_26 {strides = array<i32>} : memref<10112x16xf32, #tpu.memory_space<vmem>>, vector<10112x16xf32>,
    return
  }
}

module attributes {stable_mosaic.version = 14 : i64} {
  func.func @body(%arg0: i32, %arg1: memref<2x632x128xf32, #tpu.memory_space<vmem>>, %arg2: memref<632x128xf32, #tpu.memory_space<vmem>>, %arg3: memref<632x16xf32, #tpu.memory_space<vmem>>, %arg4: memref<128x64xf32, #tpu.memory_space<vmem>>, %arg5: memref<1x64xf32, #tpu.memory_space<vmem>>, %arg6: memref<632x128xf32, #tpu.memory_space<vmem>>, %arg7: memref<632x64xf32, #tpu.memory_space<vmem>>) attributes {dimension_semantics = [#tpu.dimension_semantics<arbitrary>], iteration_bounds = array<i64: 16>, scalar_prefetch = 0 : i64, scratch_operands = 0 : i64, tpu.core_type = #tpu.core_type<tc>, window_params = [{transform_indices = @transform_0, window_bounds = array<i64: 2, 632, 128>}, {transform_indices = @transform_1, window_bounds = array<i64: 632, 128>}, {transform_indices = @transform_2, window_bounds = array<i64: 632, 16>}, {pipeline_mode = #tpu.pipeline_mode<synchronous>, transform_indices = @transform_3, window_bounds = array<i64: 128, 64>}, {pipeline_mode = #tpu.pipeline_mode<synchronous>, transform_indices = @transform_4, window_bounds = array<i64: 1, 64>}, {transform_indices = @transform_5, window_bounds = array<i64: 632, 128>}, {transform_indices = @transform_6, window_bounds = array<i64: 632, 64>}]} {
    %get3A = arith.constant 0 : index
    %get3A_0 = arith.constant 0 : index
    %get3A_1 = arith.constant 0 : index
    %get3A_2 = vector.load %arg1[%get3A, %get3A_0, %get3A_1] : memref<2x632x128xf32, #tpu.memory_space<vmem>>, vector<2x632x128xf32>
    %get3A_3 = arith.constant 0 : index
    %get3A_4 = arith.constant 0 : index
    %get3A_5 = vector.load %arg3[%get3A_3, %get3A_4] : memref<632x16xf32, #tpu.memory_space<vmem>>, vector<632x16xf32>
    %slice3A = vector.extract_strided_slice %get3A_5 {offsets = [0, 0], sizes = [632, 1], strides = [1, 1]} : vector<632x16xf32> to vector<632x1xf32>
    %slice3A_6 = vector.extract_strided_slice %get3A_2 {offsets = [0, 0, 0], sizes = [1, 632, 128], strides = [1, 1, 1]} : vector<2x632x128xf32> to vector<1x632x128xf32>
    %squeeze3A = vector.shape_cast %slice3A_6 : vector<1x632x128xf32> to vector<632x128xf32>
    %slice3A_7 = vector.extract_strided_slice %get3A_2 {offsets = [1, 0, 0], sizes = [1, 632, 128], strides = [1, 1, 1]} : vector<2x632x128xf32> to vector<1x632x128xf32>
    %squeeze3A_8 = vector.shape_cast %slice3A_7 : vector<1x632x128xf32> to vector<632x128xf32>
    %add3A = arith.addf %squeeze3A, %squeeze3A_8 : vector<632x128xf32>
    %get3A_9 = arith.constant 0 : index
    %get3A_10 = arith.constant 0 : index
    %get3A_11 = vector.load %arg2[%get3A_9, %get3A_10] : memref<632x128xf32, #tpu.memory_space<vmem>>, vector<632x128xf32>
    %add3A_12 = arith.addf %add3A, %get3A_11 : vector<632x128xf32>
    %mul3A = vector.broadcast %slice3A : vector<632x1xf32> to vector<632x128xf32>
    %mul3A_13 = arith.mulf %add3A_12, %mul3A : vector<632x128xf32>
    %max3A = arith.constant 0.000000e+00 : f32
    %max3A_14 = vector.broadcast %max3A : f32 to vector<632x128xf32>
    %max3A_15 = arith.maximumf %mul3A_13, %max3A_14 : vector<632x128xf32>
    %swap3A = arith.constant 0 : index
    %swap3A_16 = arith.constant 0 : index
    %swap3A_17 = vector.load %arg6[%swap3A, %swap3A_16] : memref<632x128xf32, #tpu.memory_space<vmem>>, vector<632x128xf32>
    tpu.vector_store %arg6[%swap3A, %swap3A_16], %max3A_15 {strides = array<i32>} : memref<632x128xf32, #tpu.memory_space<vmem>>, vector<632x128xf32>,
    %get3A_18 = arith.constant 0 : index
    %get3A_19 = arith.constant 0 : index
    %get3A_20 = vector.load %arg4[%get3A_18, %get3A_19] : memref<128x64xf32, #tpu.memory_space<vmem>>, vector<128x64xf32>
    %dot_general3A = arith.constant dense<0.000000e+00> : vector<632x64xf32>
    %dot_general3A_21 = tpu.matmul %max3A_15, %get3A_20, %dot_general3A {dimension_numbers = #tpu.dot_dimension_numbers<[1], [0], [0], [1], [0, 0, 1, 1], [], []>, transpose_lhs_hint = false} : vector<632x128xf32>, vector<128x64xf32>, vector<632x64xf32> -> vector<632x64xf32>
    %get3A_22 = arith.constant 0 : index
    %get3A_23 = arith.constant 0 : index
    %get3A_24 = vector.load %arg5[%get3A_22, %get3A_23] : memref<1x64xf32, #tpu.memory_space<vmem>>, vector<1x64xf32>
    %add3A_25 = vector.broadcast %get3A_24 : vector<1x64xf32> to vector<632x64xf32>
    %add3A_26 = arith.addf %dot_general3A_21, %add3A_25 : vector<632x64xf32>
    %mul3A_27 = vector.broadcast %slice3A : vector<632x1xf32> to vector<632x64xf32>
    %mul3A_28 = arith.mulf %add3A_26, %mul3A_27 : vector<632x64xf32>
    %swap3A_29 = arith.constant 0 : index
    %swap3A_30 = arith.constant 0 : index
    %swap3A_31 = vector.load %arg7[%swap3A_29, %swap3A_30] : memref<632x64xf32, #tpu.memory_space<vmem>>, vector<632x64xf32>
    tpu.vector_store %arg7[%swap3A_29, %swap3A_30], %mul3A_28 {strides = array<i32>} : memref<632x64xf32, #tpu.memory_space<vmem>>, vector<632x64xf32>,
    return
  }
  func.func @transform_0(%arg0: i32) -> (i32, i32, i32) {
    %c0_i32 = arith.constant 0 : i32
    %c0_i32_0 = arith.constant 0 : i32
    %c0_i32_1 = arith.constant 0 : i32
    return %c0_i32, %arg0, %c0_i32_0 : i32, i32, i32
  }
  func.func @transform_1(%arg0: i32) -> (i32, i32) {
    %c0_i32 = arith.constant 0 : i32
    %c0_i32_0 = arith.constant 0 : i32
    return %arg0, %c0_i32 : i32, i32
  }
  func.func @transform_2(%arg0: i32) -> (i32, i32) {
    %c0_i32 = arith.constant 0 : i32
    %c0_i32_0 = arith.constant 0 : i32
    return %arg0, %c0_i32 : i32, i32
  }
  func.func @transform_3(%arg0: i32) -> (i32, i32) {
    %c0_i32 = arith.constant 0 : i32
    %c0_i32_0 = arith.constant 0 : i32
    %c0_i32_1 = arith.constant 0 : i32
    return %c0_i32, %c0_i32_0 : i32, i32
  }
  func.func @transform_4(%arg0: i32) -> (i32, i32) {
    %c0_i32 = arith.constant 0 : i32
    %c0_i32_0 = arith.constant 0 : i32
    %c0_i32_1 = arith.constant 0 : i32
    return %c0_i32, %c0_i32_0 : i32, i32
  }
  func.func @transform_5(%arg0: i32) -> (i32, i32) {
    %c0_i32 = arith.constant 0 : i32
    %c0_i32_0 = arith.constant 0 : i32
    return %arg0, %c0_i32 : i32, i32
  }
  func.func @transform_6(%arg0: i32) -> (i32, i32) {
    %c0_i32 = arith.constant 0 : i32
    %c0_i32_0 = arith.constant 0 : i32
    return %arg0, %c0_i32 : i32, i32
  }
}

module attributes {stable_mosaic.version = 14 : i64} {
  func.func @body(%arg0: i32, %arg1: memref<2x632x64xf32, #tpu.memory_space<vmem>>, %arg2: memref<632x64xf32, #tpu.memory_space<vmem>>, %arg3: memref<632x16xf32, #tpu.memory_space<vmem>>, %arg4: memref<632x64xf32, #tpu.memory_space<vmem>>) attributes {dimension_semantics = [#tpu.dimension_semantics<arbitrary>], iteration_bounds = array<i64: 16>, scalar_prefetch = 0 : i64, scratch_operands = 0 : i64, tpu.core_type = #tpu.core_type<tc>, window_params = [{transform_indices = @transform_0, window_bounds = array<i64: 2, 632, 64>}, {transform_indices = @transform_1, window_bounds = array<i64: 632, 64>}, {transform_indices = @transform_2, window_bounds = array<i64: 632, 16>}, {transform_indices = @transform_3, window_bounds = array<i64: 632, 64>}]} {
    %get3A = arith.constant 0 : index
    %get3A_0 = arith.constant 0 : index
    %get3A_1 = arith.constant 0 : index
    %get3A_2 = vector.load %arg1[%get3A, %get3A_0, %get3A_1] : memref<2x632x64xf32, #tpu.memory_space<vmem>>, vector<2x632x64xf32>
    %get3A_3 = arith.constant 0 : index
    %get3A_4 = arith.constant 0 : index
    %get3A_5 = vector.load %arg3[%get3A_3, %get3A_4] : memref<632x16xf32, #tpu.memory_space<vmem>>, vector<632x16xf32>
    %slice3A = vector.extract_strided_slice %get3A_5 {offsets = [0, 0], sizes = [632, 1], strides = [1, 1]} : vector<632x16xf32> to vector<632x1xf32>
    %slice3A_6 = vector.extract_strided_slice %get3A_2 {offsets = [0, 0, 0], sizes = [1, 632, 64], strides = [1, 1, 1]} : vector<2x632x64xf32> to vector<1x632x64xf32>
    %squeeze3A = vector.shape_cast %slice3A_6 : vector<1x632x64xf32> to vector<632x64xf32>
    %slice3A_7 = vector.extract_strided_slice %get3A_2 {offsets = [1, 0, 0], sizes = [1, 632, 64], strides = [1, 1, 1]} : vector<2x632x64xf32> to vector<1x632x64xf32>
    %squeeze3A_8 = vector.shape_cast %slice3A_7 : vector<1x632x64xf32> to vector<632x64xf32>
    %add3A = arith.addf %squeeze3A, %squeeze3A_8 : vector<632x64xf32>
    %get3A_9 = arith.constant 0 : index
    %get3A_10 = arith.constant 0 : index
    %get3A_11 = vector.load %arg2[%get3A_9, %get3A_10] : memref<632x64xf32, #tpu.memory_space<vmem>>, vector<632x64xf32>
    %add3A_12 = arith.addf %add3A, %get3A_11 : vector<632x64xf32>
    %mul3A = vector.broadcast %slice3A : vector<632x1xf32> to vector<632x64xf32>
    %mul3A_13 = arith.mulf %add3A_12, %mul3A : vector<632x64xf32>
    %swap3A = arith.constant 0 : index
    %swap3A_14 = arith.constant 0 : index
    %swap3A_15 = vector.load %arg4[%swap3A, %swap3A_14] : memref<632x64xf32, #tpu.memory_space<vmem>>, vector<632x64xf32>
    tpu.vector_store %arg4[%swap3A, %swap3A_14], %mul3A_13 {strides = array<i32>} : memref<632x64xf32, #tpu.memory_space<vmem>>, vector<632x64xf32>,
    return
  }
  func.func @transform_0(%arg0: i32) -> (i32, i32, i32) {
    %c0_i32 = arith.constant 0 : i32
    %c0_i32_0 = arith.constant 0 : i32
    %c0_i32_1 = arith.constant 0 : i32
    return %c0_i32, %arg0, %c0_i32_0 : i32, i32, i32
  }
  func.func @transform_1(%arg0: i32) -> (i32, i32) {
    %c0_i32 = arith.constant 0 : i32
    %c0_i32_0 = arith.constant 0 : i32
    return %arg0, %c0_i32 : i32, i32
  }
  func.func @transform_2(%arg0: i32) -> (i32, i32) {
    %c0_i32 = arith.constant 0 : i32
    %c0_i32_0 = arith.constant 0 : i32
    return %arg0, %c0_i32 : i32, i32
  }
  func.func @transform_3(%arg0: i32) -> (i32, i32) {
    %c0_i32 = arith.constant 0 : i32
    %c0_i32_0 = arith.constant 0 : i32
    return %arg0, %c0_i32 : i32, i32
  }
}

</mosaic_0001>

<sc_bundles>
// kernel: kernel.11.cloned.1.call-start
scs
__scs_entry_jumppad:
0x0: {  	(pc) =	sbr.rel $0x88, $3  }
0x1: {  	(tag) =	ssettag $0x0;
	lr =	simm.s32 $0x1  }
0x2: {  	[smem:$0x3F9B] =	sst lr;
	_ =	strace $0xD0000000  }
0x3: {  	_ = 	snop  }
0x4: {  	_ = 	snop  }
0x5: {  	_ = 	snop  }
0x6: {  	_ = 	snop  }
0x7: {  	_ = 	snop  }
__scs_overlays_trampoline_lowered:
0x8: {  	[smem:$0x3FAA] =	sst s0  }
0x9: {  	[smem:$0x3FAB] =	sst s1  }
0xa: {  	[smem:$0x3FAC] =	sst s2  }
0xb: {  	[smem:$0x3FAD] =	sst s3  }
0xc: {  	[smem:$0x3FAE] =	sst s4  }
0xd: {  	[smem:$0x3FAF] =	sst s5  }
0xe: {  	[smem:$0x3FB0] =	sst s6  }
0xf: {  	[smem:$0x3FB1] =	sst s7  }
0x10: {  	[smem:$0x3FB2] =	sst s8  }
0x11: {  	[smem:$0x3FB3] =	sst s9;
	s0 =	simm.s32 @!p0 $0x0  }
0x12: {  	s1 =	sld [smem:$0x3F99];
	s0 =	simm.s32 @p0 $0x1  }
0x13: {  	[smem:$0x3FB4] =	sst s0;
	s0 =	simm.s32 @!p1 $0x0  }
0x14: {  	s2 =	sld [smem:$0x3F98];
	s0 =	simm.s32 @p1 $0x1  }
0x15: {  	[smem:$0x3FB5] =	sst s0;
	s0 =	simm.s32 @!p2 $0x0  }
0x16: {  	s3 =	sld [smem:$0x3FDB];
	s0 =	simm.s32 @p2 $0x1  }
0x17: {  	s4 =	simm.s32 $0x1BF5;
	[smem:$0x3FB7] =	sst s0  }
0x18: {  	s0 =	sld [smem:$0x3F9A];
	_ =	swait.ge [sflag:s4], $0x0  }
0x19: {  	s7 =	sld [smem:$0x3F9B]  }
0x1a: {  	s8 =	sadd.s32 $0xFFFFE003, lr  }
0x1b: {  	s9 =	sadd.s32 $0xFFFFFEF7, lr;
	s5 =	simm.s32 $0xFFFFFFFF;
	p2 =	slt.u32 s8, $0xFFFFF086  }
0x1c: {  	p1 =	slt.u32 s9, $0xF7A;
	s5 =	simm.s32 @!p2 $0x0  }
0x1d: {  	s5 =	simm.s32 @p1 $0x1;
	p0 =	seq.s32 s7, s2  }
0x1e: {  	s7 =	smul.u32 @!p0 $0xF7A, s2;
	p2 =	seq.s32 @!p0 s5, $0x0  }
0x1f: {  	s9 =	smul.u32 $0xF7A, s1;
	s8 =	simm.s32 @!p0 $0x1BF5;
	p2 =	por !p2, p0  }
0x20: {  	[sflag:s8] =	ssyncset.s32 @!p0 $0xFFFFF086;
	s6 =	sadd.s32 @!p0 s3, s7;
	s7 =	simm.s32 @!p0 $0x108  }
0x21: {  	s3 =	sadd.s32 s3, s9;
	s6 =	sadd.s32 @!p0 $0x88, s6;
	s7 =	simm.s32 @p2 $0x1082  }
0x22: {  	[simem:s7], [sflag:s8] =	dma.local @!p0 [hbm:s6], $0xF7A  }
0x23: {  	s9 =	sor.u32 $0xD0000000, s2;
	s6 =	simm.s32 $0x108;
	_ =	swait.ge @!p0 [sflag:s8], $0x0  }
0x24: {  	s3 =	sadd.s32 $0x88, s3;
	s6 =	simm.s32 @!p1 $0x1082;
	[sflag:s4] =	ssyncset.s32 $0xFFFFF086  }
0x25: {  	[simem:s6], [sflag:s4] =	dma.local [hbm:s3], $0xF7A  }
0x26: {  	[smem:$0x3F9B] =	sst s1;
	(tag) =	ssettag s2;
	_ =	strace s9  }
0x27: {  	s1 =	sld [smem:$0x3FAB]  }
0x28: {  	s2 =	sld [smem:$0x3FAC]  }
0x29: {  	s4 =	sld [smem:$0x3FAE]  }
0x2a: {  	p0 =	seq.s32 s5, $0x0;
	s5 =	sld [smem:$0x3FAF]  }
0x2b: {  	s6 =	sld [smem:$0x3FB0]  }
0x2c: {  	s7 =	sld [smem:$0x3FB1]  }
0x2d: {  	s3 =	simm.s32 $0x108;
	s8 =	sld [smem:$0x3FB2]  }
0x2e: {  	s3 =	simm.s32 @!p0 $0x1082;
	s9 =	sld [smem:$0x3FB3]  }
0x2f: {  	lr =	sadd.s32 s0, s3;
	s0 =	sld [smem:$0x3FAA]  }
0x30: {  	s3 =	sld [smem:$0x3FAD]  }
0x31: {  	[smem:$0x3FB6] =	sst s10  }
0x32: {  	s10 =	sld [smem:$0x3FB4];
	_ =	sdelay $0x3  }
0x33: {  	p0 =	seq.s32 s10, $0x1;
	s10 =	sld [smem:$0x3FB6];
	_ =	sdelay $0x3  }
0x34: {  	[smem:$0x3FB6] =	sst s10  }
0x35: {  	s10 =	sld [smem:$0x3FB5];
	_ =	sdelay $0x3  }
0x36: {  	p1 =	seq.s32 s10, $0x1;
	s10 =	sld [smem:$0x3FB6];
	_ =	sdelay $0x3  }
0x37: {  	[smem:$0x3FB6] =	sst s10  }
0x38: {  	s10 =	sld [smem:$0x3FB7]  }
0x39: {  	_ = 	snop;
	(pc) =	sbr.ind lr, $3  }
0x3a: {  	_ = 	snop  }
0x3b: {  	_ = 	snop  }
0x3c: {  	p2 =	seq.s32 s10, $0x1;
	s10 =	sld [smem:$0x3FB6]  }
0x3d: {  	_ =	shalt  }
0x3e: {  	_ =	shalt  }
0x3f: {  	_ =	shalt  }
0x40: {  	_ =	shalt  }
0x41: {  	_ =	shalt  }
0x42: {  	_ =	shalt  }
0x43: {  	_ =	shalt  }
0x44: {  	_ =	shalt  }
0x45: {  	_ =	shalt  }
0x46: {  	_ =	shalt  }
0x47: {  	_ =	shalt  }
0x48: {  	_ =	shalt  }
0x49: {  	_ =	shalt  }
0x4a: {  	_ =	shalt  }
0x4b: {  	_ =	shalt  }
0x4c: {  	_ =	shalt  }
0x4d: {  	_ =	shalt  }
0x4e: {  	_ =	shalt  }
0x4f: {  	_ =	shalt  }
0x50: {  	_ =	shalt  }
0x51: {  	_ =	shalt  }
0x52: {  	_ =	shalt  }
0x53: {  	_ =	shalt  }
0x54: {  	_ =	shalt  }
0x55: {  	_ =	shalt  }
0x56: {  	_ =	shalt  }
0x57: {  	_ =	shalt  }
0x58: {  	_ =	shalt  }
0x59: {  	_ =	shalt  }
0x5a: {  	_ =	shalt  }
0x5b: {  	_ =	shalt  }
0x5c: {  	_ =	shalt  }
0x5d: {  	_ =	shalt  }
0x5e: {  	_ =	shalt  }
0x5f: {  	_ =	shalt  }
0x60: {  	_ =	shalt  }
0x61: {  	_ =	shalt  }
0x62: {  	_ =	shalt  }
0x63: {  	_ =	shalt  }
0x64: {  	_ =	shalt  }
0x65: {  	_ =	shalt  }
0x66: {  	_ =	shalt  }
0x67: {  	_ =	shalt  }
0x68: {  	_ =	shalt  }
0x69: {  	_ =	shalt  }
0x6a: {  	_ =	shalt  }
0x6b: {  	_ =	shalt  }
0x6c: {  	_ =	shalt  }
0x6d: {  	_ =	shalt  }
0x6e: {  	_ =	shalt  }
0x6f: {  	_ =	shalt  }
0x70: {  	_ =	shalt  }
0x71: {  	_ =	shalt  }
0x72: {  	_ =	shalt  }
0x73: {  	_ =	shalt  }
0x74: {  	_ =	shalt  }
0x75: {  	_ =	shalt  }
0x76: {  	_ =	shalt  }
0x77: {  	_ =	shalt  }
0x78: {  	_ =	shalt  }
0x79: {  	_ =	shalt  }
0x7a: {  	_ =	shalt  }
0x7b: {  	_ =	shalt  }
0x7c: {  	_ =	shalt  }
0x7d: {  	_ =	shalt  }
0x7e: {  	_ =	shalt  }
0x7f: {  	_ =	shalt  }
0x80: {  	_ =	shalt  }
0x81: {  	_ =	shalt  }
0x82: {  	_ =	shalt  }
0x83: {  	_ =	shalt  }
0x84: {  	_ =	shalt  }
0x85: {  	_ =	shalt  }
0x86: {  	_ =	shalt  }
0x87: {  	_ =	shalt  }
.Lfunc_end0:
.L_simem_size_0:
called_computation.1_lowered:
.L_overlay_start_0:
0x88: {  	s2 =	sld [smem:$0x3FD9]  }
0x89: {  	s3 =	sld [smem:$0x3FFE];
	_ =	sdelay $0x1  }
0x8a: {  	s1 =	srdreg.scid  }
0x8b: {  	s0 =	sand.u32 $0x1, s1  }
0x8c: {  	s16 =	sshll.u32 s0, $0xA;
	s2 =	sadd.s32 s3, s2  }
0x8d: {  	s2 =	sadd.s32 s2, s16  }
0x8e: {  	[smem:$0x3FC2] =	sst s2  }
0x8f: {  	_ = 	snop  }
0x90: {  	(tm) =	ssettm $0x1  }
0x91: {  	s17 =	sld [smem:$0x3FFB];
	_ =	sdelay $0x3  }
0x92: {  	_ =	strace s17  }
0x93: {  	s2 =	sld [smem:$0x3FFC];
	_ =	sdelay $0x3  }
0x94: {  	_ =	strace s2  }
0x95: {  	s2 =	sld [smem:$0x3FFD];
	_ =	sdelay $0x3  }
0x96: {  	_ =	strace s2  }
0x97: {  	_ =	strace $0x8FFFFFFF  }
0x98: {  	s18 =	sld [smem:$0x3FDB];
	_ =	sdelay $0x1  }
0x99: {  	s19 =	simm.s32 $_scs_section_size  }
0x9a: {  	s4 =	simm.s32 $_size__tile_overlayer_lowered;
	s5 =	simm.s32 $_tile_overlayer_lowered  }
0x9b: {  	s22 =	simm.s32 $0x1BFF;
	s21 =	sshll.u32 s5, $0x1;
	s2 =	sadd.s32 s19, s18  }
0x9c: {  	s6 =	simm.s32 $0x0;
	s20 =	sshll.u32 s4, $0x1;
	s4 =	sadd.s32 s21, s2  }
0x9d: {  	[timem:s6], [sflag:s22] =	dma.local [hbm:s4], s20  }
0x9e: {  	_ =	swait.ge [sflag:s22], s20  }
0x9f: {  	s3 =	ssub.s32 $0x0, s20;
	[sflag:s22] =	ssyncset.done $0x0  }
0xa0: {  	[sflag:s22] =	ssyncadd.s32 s3;
	_ =	sdelay $0x1  }
0xa1: {  	s23 =	simm.s32 $0x1B8B  }
0xa2: {  	_ =	swait.ge [sflag:s23], $0x1  }
0xa3: {  	[sflag:s23] =	ssyncset.done $0x0  }
0xa4: {  	s25 =	simm.s32 $0x1B8E;
	s24 =	sld [smem:$0x3FFE];
	[sflag:s23] =	ssyncadd.s32 $0xFFFFFFFF  }
0xa5: {  	s26 =	simm.s32 $execute0_lowered;
	[smem:$0x3FD2] =	sst s25  }
0xa6: {  	s4 =	sshll.u32 s26, $0x1;
	_ =	strace $0x80000049;
	[dreg:$0x1] =	wrdreg $0xFFFFFFFF  }
0xa7: {  	s28 =	simm.s32 $_size_execute0_lowered;
	s2 =	sadd.s32 s2, s4;
	[dreg:$0x0] =	wrdreg $0x0  }
0xa8: {  	s4 =	sshll.u32 s28, $0x1;
	[dreg:$0x2] =	wrdreg s2  }
0xa9: {  	[dreg:$0x3] =	wrdreg s4  }
0xaa: {  	[dreg:$0x4] =	wrdreg $0xC0  }
0xab: {  	_ =	task [dreg:s6], $0x5FFFF  }
0xac: {  	[dreg:$0x1] =	wrdreg $0xFFFFFFFF  }
0xad: {  	[dreg:$0x0] =	wrdreg $0x60  }
0xae: {  	[dreg:$0x2] =	wrdreg s24  }
0xaf: {  	[dreg:$0x3] =	wrdreg $0xB8000  }
0xb0: {  	[dreg:$0x4] =	wrdreg $0x9  }
0xb1: {  	_ =	task.clear_ibuf [dreg:s6], $0x5FFFF;
	_ =	strace $0x90000049  }
0xb2: {  	s29 =	simm.s32 $0x9;
	_ =	strace $0x8000004B  }
0xb3: {  	_ =	swait.ge [sflag:s29], $0x1  }
0xb4: {  	[sflag:s29] =	ssyncadd.s32 $0xFFFFFFFF  }
0xb5: {  	_ =	strace $0x9000004B  }
0xb6: {  	_ =	sfence  }
0xb7: {  	s30 =	sld [smem:$0x0];
	_ =	sdelay $0x2  }
0xb8: {  	s31 =	sshll.u32 s1, $0xD;
	s1 =	sshrl.u32 s1, $0x2  }
0xb9: {  	s3 =	sand.u32 $0x4000, s31;
	s1 =	sadd.s32 s1, s30  }
0xba: {  	s0 =	sor.u32 s3, s0;
	s1 =	sshll.u32 s1, $0x11  }
0xbb: {  	s0 =	sor.u32 s1, s0  }
0xbc: {  	s0 =	sadd.s32 $0x8F2B, s0  }
0xbd: {  	[sflag:s0] =	ssyncadd.remote.s32 $0x1  }
0xbe: {  	_ =	sfence.sel $0xFFFF  }
0xbf: {  	[dreg:$0x0] =	wrdreg $0xFFFFFFFF;
	(pc) =	sbr.abs _section_cstart, $3  }
0xc0: {  	[dreg:$0x1] =	wrdreg $0xFFFFFFFF  }
0xc1: {  	_ =	task.clear_ibuf [dreg:s6], $0x2FFFF;
	_ =	strace $0x9FFFFFFF  }
0xc2: {  	(tm) =	ssettm $0x7FFFFFFF  }
0xc3: {  	_ =	shalt  }
tec
execute0_lowered:
.L_overlay_start_1:
0x0: {  	(tag) =	ssettag $0x1  }
0x1: {  	s0 =	srdreg.scid;
	s1 =	rddreg [dreg:$0x0]  }
0x2: {  	s6 =	stileid.u32;
	s2 =	rddreg [dreg:$0x1];
	s17 =	simm.s32 $0x3800  }
0x3: {  	s18 =	simm.s32 $0x4;
	s19 =	simm.s32 $0x1;
	s20 =	simm.s32 $0x80  }
0x4: {  	s21 =	simm.s32 $0x7800;
	s22 =	simm.s32 $0x2;
	s25 =	simm.s32 $0x0  }
0x5: {  	s0 =	sand.u32 $0x1, s0;
	s3 =	sshll.u32 s6, $0x1;
	s8 =	smul.u32 $0x13C00, s6  }
0x6: {  	s5 =	sadd.s32 $0x16600, s1;
	s11 =	smul.u32 $0x4F000, s6;
	s6 =	sadd.s32 $0x2600, s1  }
0x7: {  	s4 =	sor.u32 s0, s3;
	s3 =	simm.s32 $0x0;
	s7 =	smul.u32 $0x13C000, s0  }
0x8: {  	s0 =	ssub.s32 $0x2, s0;
	s4 =	smul.u32 $0x2800, s4;
	[smem:$0x7FF] =	sst s3  }
0x9: {  	s31 =	sshrl.u32 s0, $0x1;
	s11 =	sshrl.u32 s11, $0x2;
	_ =	strace $0x8000004A  }
0xa: {  	s7 =	sadd.s32 s8, s7;
	s0 =	ssub.s32 s0, s31;
	s9 =	sshrl.u32 s4, $0x3  }
0xb: {  	s7 =	sshrl.u32 s7, $0x3;
	s15 =	smax.u32 s0, $0x1;
	s10 =	sadd.s32 s9, s1  }
0xc: {  	s1 =	sadd.s32 s7, s1;
	s7 =	sadd.s32 s11, s2;
	s9 =	sadd.s32 s6, s9  }
0xd: {  	s8 =	sadd.s32 $0xC600, s10;
	s10 =	sadd.s32 $0x4000, s7;
	s11 =	sadd.s32 $0x8000, s7  }
0xe: {  	v0 =	vimm.f32 $0.0e+00;
	s12 =	sadd.s32 $0xC000, s7;
	s13 =	sadd.s32 $0x10000, s7;
	s14 =	sadd.s32 $0x3DE00, s1  }
.LBB2_1:
0xf: {  	[tilespmem:s3], [sflag:$0x1] =	stream.linear.gather [hbm4b:s8+s3], $0x2800, $0x38;
	[tilespmem:$0x1F400] =	vst v63  }
0x10: {  	s0 =	simm.s32 $0x2800  }
0x11: {  	[tilespmem:s0], [sflag:$0x3] =	stream.linear.gather [hbm4b:s9+s3], $0x800, $0x38;
	[tilespmem:$0x1F400] =	vst v63  }
0x12: {  	s1 =	simm.s32 $0x0;
	s0 =	simm.s32 $0x200  }
.LBB2_2:
0x13: {  	p0 =	sne.s32 s0, $0xFE00;
	[tilespmem:s1+$0x3870] =	vst v0  }
0x14: {  	[tilespmem:s1+$0x3800] =	vst v0  }
0x15: {  	[tilespmem:s1+$0x3810] =	vst v0  }
.Ltmp0:
0x16: {  	[tilespmem:s1+$0x3820] =	vst v0;
	(pc) =	sbr.rel @p0 .LBB2_2-.Ltmp0, $4  }
0x17: {  	[tilespmem:s1+$0x3830] =	vst v0  }
0x18: {  	[tilespmem:s1+$0x3840] =	vst v0  }
0x19: {  	[tilespmem:s1+$0x3850] =	vst v0  }
0x1a: {  	[tilespmem:s1+$0x3860] =	vst v0;
	s1 =	sshra.s32 s0, $0x2;
	s0 =	sadd.s32 $0x200, s0  }
0x1b: {  	[tilespmem:s1+$0x3870] =	vst v0  }
0x1c: {  	[tilespmem:s1+$0x3800] =	vst v0  }
0x1d: {  	[tilespmem:s1+$0x3810] =	vst v0  }
0x1e: {  	[tilespmem:s1+$0x3820] =	vst v0  }
0x1f: {  	[tilespmem:s1+$0x3830] =	vst v0  }
0x20: {  	[tilespmem:s1+$0x3840] =	vst v0  }
0x21: {  	[tilespmem:s1+$0x3850] =	vst v0  }
0x22: {  	[tilespmem:s1+$0x3860] =	vst v0  }
0x23: {  	[spmem:s7] =	stream.linear.scatter [tilespmem:s17], [sflag:$0x4], $0x4000, $0x38;
	[tilespmem:$0x1F400] =	vst v63  }
0x24: {  	_ =	swait.ge [sflag:s18], $0x4000  }
0x25: {  	[sflag:s18] =	ssyncset.done $0x0  }
0x26: {  	[sflag:s18] =	ssyncadd.s32 $0xFFFFC000  }
0x27: {  	[spmem:s10] =	stream.linear.scatter [tilespmem:s17], [sflag:$0x4], $0x4000, $0x38;
	[tilespmem:$0x1F400] =	vst v63  }
0x28: {  	_ =	swait.ge [sflag:s18], $0x4000  }
0x29: {  	[sflag:s18] =	ssyncset.done $0x0  }
0x2a: {  	[sflag:s18] =	ssyncadd.s32 $0xFFFFC000  }
0x2b: {  	[spmem:s11] =	stream.linear.scatter [tilespmem:s17], [sflag:$0x4], $0x4000, $0x38;
	[tilespmem:$0x1F400] =	vst v63  }
0x2c: {  	_ =	swait.ge [sflag:s18], $0x4000  }
0x2d: {  	[sflag:s18] =	ssyncset.done $0x0  }
0x2e: {  	[sflag:s18] =	ssyncadd.s32 $0xFFFFC000  }
0x2f: {  	[spmem:s12] =	stream.linear.scatter [tilespmem:s17], [sflag:$0x4], $0x4000, $0x38;
	[tilespmem:$0x1F400] =	vst v63  }
0x30: {  	_ =	swait.ge [sflag:s18], $0x4000  }
0x31: {  	[sflag:s18] =	ssyncset.done $0x0  }
0x32: {  	[sflag:s18] =	ssyncadd.s32 $0xFFFFC000  }
0x33: {  	[spmem:s13] =	stream.linear.scatter [tilespmem:s17], [sflag:$0x4], $0x3C00, $0x38;
	[tilespmem:$0x1F400] =	vst v63  }
0x34: {  	_ =	swait.ge [sflag:s18], $0x3C00  }
0x35: {  	[sflag:s18] =	ssyncset.done $0x0  }
0x36: {  	[sflag:s18] =	ssyncadd.s32 $0xFFFFC400  }
0x37: {  	_ =	swait.ge [sflag:s19], $0x2800  }
0x38: {  	[sflag:s19] =	ssyncset.done $0x0  }
0x39: {  	[sflag:s19] =	ssyncadd.s32 $0xFFFFD800  }
0x3a: {  	s0 =	simm.s32 $0x0;
	[bflag:$0x0] =	sbarrier.arrive $0xFFFF  }
0x3b: {  	[tilespmem:s17], [sflag:$0x1] =	stream.indirect.gather [hbm4b:s5+s20], $0x80, s0, s20, $0xb8;
	[tilespmem:$0x1F400] =	vst v63  }
0x3c: {  	s0 =	sand.u32 $0xE, s0  }
0x3d: {  	p0 =	sne.s32 s0, $0x0  }
0x3e: {  	[tilespmem:s21], [sflag:$0x2] =	stream.indirect.gather [hbm4b:s5+s20], $0x80, s20, s20, $0xb8;
	[tilespmem:$0x1F400] =	vst v63  }
0x3f: {  	p1 =	por @!p0 $0x0, $0x0;
	s1 =	simm.s32 @!p0 $0x3  }
0x40: {  	s29 =	simm.s32 $0x0;
	p1 =	por p1, p0;
	_ =	swait.ge @!p0 [sflag:s1], $0x800  }
0x41: {  	s26 =	simm.s32 @!p1 $0x800;
	s28 =	sadd.s32 @!p1 $0x800, s4;
	[sflag:s1] =	ssyncset.done @!p0 $0x0  }
0x42: {  	s26 =	sand.u32 @!p1 $0x800, s26;
	s28 =	sshrl.u32 @!p1 s28, $0x3;
	[sflag:s1] =	ssyncadd.s32 @!p0 $0xFFFFF800  }
0x43: {  	s1 =	simm.s32 @!p1 $0x0;
	s26 =	sadd.s32 @!p1 $0x2800, s26;
	s28 =	sadd.s32 @!p1 s6, s28  }
0x44: {  	[tilespmem:s26], [sflag:$0x3] =	stream.linear.gather @!p1 [hbm4b:s28+s1], $0x800, $0x38;
	[tilespmem:$0x1F400] =	vst v63  }
0x45: {  	s23 =	sand.u32 $0x800, s29;
	s0 =	sshll.u32 s0, $0x7;
	_ =	swait.ge [sflag:s19], $0x4000  }
0x46: {  	s0 =	sor.u32 s0, s23;
	[sflag:s19] =	ssyncset.done $0x0  }
0x47: {  	s1 =	sadd.s32 $0x2800, s0;
	[sflag:s19] =	ssyncadd.s32 $0xFFFFC000  }
0x48: {  	[spmem:s2] =	stream.indirect.scatter.add.f32 [tilespmem:s17], [sflag:$0x4], $0x80, s1, s20, $0xb8;
	[tilespmem:$0x1F400] =	vst v63  }
0x49: {  	s30 =	simm.s32 $0x2;
	_ =	swait.ge [sflag:s18], $0x4000  }
0x4a: {  	s24 =	simm.s32 $0x100;
	s31 =	simm.s32 $0x180;
	[sflag:s18] =	ssyncset.done $0x0  }
0x4b: {  	s29 =	simm.s32 $0x2;
	s28 =	sand.u32 $0xE, s30;
	[sflag:s18] =	ssyncadd.s32 $0xFFFFC000  }
0x4c: {  	[tilespmem:s17], [sflag:$0x1] =	stream.indirect.gather [hbm4b:s5+s20], $0x80, s24, s20, $0xb8;
	[tilespmem:$0x1F400] =	vst v63  }
0x4d: {  	s26 =	simm.s32 $0x180;
	p0 =	sne.s32 s28, $0x0;
	_ =	swait.ge [sflag:s22], $0x4000  }
0x4e: {  	s0 =	sadd.s32 $0x2880, s0;
	p1 =	por @!p0 $0x0, $0x0;
	[sflag:s22] =	ssyncset.done $0x0  }
0x4f: {  	p1 =	por p1, p0;
	s1 =	simm.s32 $0x0;
	[sflag:s22] =	ssyncadd.s32 $0xFFFFC000  }
.LBB2_4:
0x50: {  	s16 =	sshll.u32 @!p1 s1, $0xB  }
0x51: {  	s26 =	sadd.s32 $0x100, s26;
	s23 =	smov.u32 s29;
	s29 =	sadd.s32 $0x1, s29  }
0x52: {  	[spmem:s2] =	stream.indirect.scatter.add.f32 [tilespmem:s21], [sflag:$0x4], $0x80, s0, s20, $0xb8;
	[tilespmem:$0x1F400] =	vst v63  }
0x53: {  	s0 =	simm.s32 @!p0 $0x3;
	s16 =	sadd.s32 @!p1 $0x800, s16;
	_ =	swait.ge [sflag:s18], $0x4000  }
0x54: {  	s24 =	sadd.s32 @!p1 s4, s16;
	s16 =	sand.u32 @!p1 $0x800, s16;
	[sflag:s18] =	ssyncset.done $0x0  }
0x55: {  	s16 =	sadd.s32 @!p1 $0x2800, s16;
	s24 =	sshrl.u32 @!p1 s24, $0x3;
	[sflag:s18] =	ssyncadd.s32 $0xFFFFC000  }
0x56: {  	[tilespmem:s21], [sflag:$0x2] =	stream.indirect.gather [hbm4b:s5+s20], $0x80, s31, s20, $0xb8;
	[tilespmem:$0x1F400] =	vst v63  }
0x57: {  	p2 =	sne.s32 s29, $0x27;
	s24 =	sadd.s32 @!p1 s6, s24;
	_ =	swait.ge @!p0 [sflag:s0], $0x800  }
0x58: {  	s31 =	smov.u32 s26;
	[sflag:s0] =	ssyncset.done @!p0 $0x0  }
0x59: {  	s1 =	sshll.u32 s1, $0xB;
	[sflag:s0] =	ssyncadd.s32 @!p0 $0xFFFFF800;
	s0 =	simm.s32 @!p1 $0x0  }
0x5a: {  	[tilespmem:s16], [sflag:$0x3] =	stream.linear.gather @!p1 [hbm4b:s24+s0], $0x800, $0x38;
	[tilespmem:$0x1F400] =	vst v63  }
0x5b: {  	s0 =	sand.u32 $0x800, s1;
	s1 =	sshll.u32 s28, $0x7;
	_ =	swait.ge [sflag:s19], $0x4000  }
0x5c: {  	s0 =	sor.u32 s1, s0;
	[sflag:s19] =	ssyncset.done $0x0  }
0x5d: {  	s1 =	sadd.s32 $0x2800, s0;
	[sflag:s19] =	ssyncadd.s32 $0xFFFFC000  }
0x5e: {  	[spmem:s2] =	stream.indirect.scatter.add.f32 [tilespmem:s17], [sflag:$0x4], $0x80, s1, s20, $0xb8;
	[tilespmem:$0x1F400] =	vst v63  }
0x5f: {  	s30 =	sadd.s32 $0x2, s30;
	_ =	swait.ge [sflag:s18], $0x4000  }
0x60: {  	s28 =	sand.u32 $0xE, s30;
	[sflag:s18] =	ssyncset.done $0x0  }
.Ltmp1:
0x61: {  	s1 =	sadd.s32 $0xFFFFFF80, s26;
	[sflag:s18] =	ssyncadd.s32 $0xFFFFC000;
	(pc) =	sbr.rel @p2 .LBB2_4-.Ltmp1, $4  }
0x62: {  	[tilespmem:s17], [sflag:$0x1] =	stream.indirect.gather [hbm4b:s5+s20], $0x80, s1, s20, $0xb8;
	[tilespmem:$0x1F400] =	vst v63  }
0x63: {  	p0 =	sne.s32 s28, $0x0;
	s0 =	sadd.s32 $0x2880, s0;
	_ =	swait.ge [sflag:s22], $0x4000  }
0x64: {  	p1 =	sgt.u32 @!p0 s23, $0x1F;
	[sflag:s22] =	ssyncset.done $0x0  }
0x65: {  	p1 =	por p1, p0;
	s1 =	sshrl.u32 s23, $0x3;
	[sflag:s22] =	ssyncadd.s32 $0xFFFFC000  }
0x66: {  	[spmem:s2] =	stream.indirect.scatter.add.f32 [tilespmem:s21], [sflag:$0x4], $0x80, s0, s20, $0xb8;
	[tilespmem:$0x1F400] =	vst v63  }
0x67: {  	s0 =	sshll.u32 @!p1 s1, $0xB;
	_ =	swait.ge [sflag:s18], $0x4000  }
0x68: {  	s0 =	sadd.s32 @!p1 $0x800, s0;
	[sflag:s18] =	ssyncset.done $0x0  }
0x69: {  	s16 =	simm.s32 @!p0 $0x3;
	s23 =	sadd.s32 @!p1 s4, s0;
	[sflag:s18] =	ssyncadd.s32 $0xFFFFC000  }
0x6a: {  	[tilespmem:s21], [sflag:$0x2] =	stream.indirect.gather [hbm4b:s5+s20], $0x80, s31, s20, $0xb8;
	[tilespmem:$0x1F400] =	vst v63  }
0x6b: {  	s0 =	sand.u32 @!p1 $0x800, s0;
	s23 =	sshrl.u32 @!p1 s23, $0x3;
	_ =	swait.ge @!p0 [sflag:s16], $0x800  }
0x6c: {  	s0 =	sadd.s32 @!p1 $0x2800, s0;
	s23 =	sadd.s32 @!p1 s6, s23;
	[sflag:s16] =	ssyncset.done @!p0 $0x0  }
0x6d: {  	s31 =	sshll.u32 s1, $0xB;
	[sflag:s16] =	ssyncadd.s32 @!p0 $0xFFFFF800;
	s16 =	simm.s32 @!p1 $0x0  }
0x6e: {  	[tilespmem:s0], [sflag:$0x3] =	stream.linear.gather @!p1 [hbm4b:s23+s16], $0x800, $0x38;
	[tilespmem:$0x1F400] =	vst v63  }
0x6f: {  	s16 =	sand.u32 $0x800, s31;
	s23 =	sshll.u32 s28, $0x7;
	_ =	swait.ge [sflag:s19], $0x4000  }
0x70: {  	s0 =	sor.u32 s23, s16;
	[sflag:s19] =	ssyncset.done $0x0  }
0x71: {  	s1 =	sadd.s32 $0x2800, s0;
	[sflag:s19] =	ssyncadd.s32 $0xFFFFC000  }
0x72: {  	[spmem:s2] =	stream.indirect.scatter.add.f32 [tilespmem:s17], [sflag:$0x4], $0x80, s1, s20, $0xb8;
	[tilespmem:$0x1F400] =	vst v63  }
0x73: {  	_ =	swait.ge [sflag:s18], $0x4000  }
0x74: {  	s24 =	sadd.s32 $0x100, s26;
	[sflag:s18] =	ssyncset.done $0x0  }
0x75: {  	s26 =	sadd.s32 $0xFFFFFF80, s24;
	[sflag:s18] =	ssyncadd.s32 $0xFFFFC000  }
0x76: {  	[tilespmem:s17], [sflag:$0x1] =	stream.indirect.gather [hbm4b:s5+s20], $0x80, s26, s20, $0xb8;
	[tilespmem:$0x1F400] =	vst v63  }
0x77: {  	_ =	swait.ge [sflag:s22], $0x4000  }
0x78: {  	[sflag:s22] =	ssyncset.done $0x0  }
0x79: {  	s0 =	sadd.s32 $0x2880, s0;
	[sflag:s22] =	ssyncadd.s32 $0xFFFFC000  }
0x7a: {  	[spmem:s2] =	stream.indirect.scatter.add.f32 [tilespmem:s21], [sflag:$0x4], $0x80, s0, s20, $0xb8;
	[tilespmem:$0x1F400] =	vst v63  }
0x7b: {  	_ =	swait.ge [sflag:s18], $0x4000  }
0x7c: {  	[sflag:s18] =	ssyncset.done $0x0  }
0x7d: {  	[sflag:s18] =	ssyncadd.s32 $0xFFFFC000  }
0x7e: {  	[tilespmem:s21], [sflag:$0x2] =	stream.indirect.gather [hbm4b:s5+s20], $0x80, s24, s20, $0xb8;
	[tilespmem:$0x1F400] =	vst v63  }
0x7f: {  	_ =	swait.ge [sflag:s19], $0x4000  }
0x80: {  	[sflag:s19] =	ssyncset.done $0x0  }
0x81: {  	s28 =	simm.s32 $0x2F00;
	[sflag:s19] =	ssyncadd.s32 $0xFFFFC000  }
0x82: {  	[spmem:s2] =	stream.indirect.scatter.add.f32 [tilespmem:s17], [sflag:$0x4], $0x80, s28, s20, $0xb8;
	[tilespmem:$0x1F400] =	vst v63  }
0x83: {  	_ =	swait.ge [sflag:s18], $0x4000  }
0x84: {  	[sflag:s18] =	ssyncset.done $0x0  }
0x85: {  	[sflag:s18] =	ssyncadd.s32 $0xFFFFC000  }
0x86: {  	_ =	swait.ge [sflag:s22], $0x4000  }
0x87: {  	[sflag:s22] =	ssyncset.done $0x0  }
0x88: {  	s29 =	simm.s32 $0x2F80;
	[sflag:s22] =	ssyncadd.s32 $0xFFFFC000  }
0x89: {  	[spmem:s2] =	stream.indirect.scatter.add.f32 [tilespmem:s21], [sflag:$0x4], $0x80, s29, s20, $0xb8;
	[tilespmem:$0x1F400] =	vst v63  }
0x8a: {  	s25 =	sadd.s32 $0x1, s25;
	_ =	swait.ge [sflag:s18], $0x4000  }
0x8b: {  	s30 =	stileid.u32;
	p0 =	sne.s32 s25, s15;
	[sflag:s18] =	ssyncset.done $0x0  }
0x8c: {  	s31 =	sshrl.u32 s7, $0x3;
	s0 =	sshll.u32 s30, $0x6;
	[sflag:s18] =	ssyncadd.s32 $0xFFFFC000  }
.Ltmp2:
0x8d: {  	s0 =	sor.u32 $0x1C04, s0;
	[bflag:$0x0] =	sbarrier.arrive $0xFFFF;
	(pc) =	sbr.rel @p0 .LBB2_1-.Ltmp2, $4  }
0x8e: {  	[hbm:s14], [sflag:s0] =	dma.local [spmem:s31], $0x2780  }
0x8f: {  	_ =	swait.ge [sflag:s18], $0x2780  }
0x90: {  	[sflag:s18] =	ssyncset.done $0x0  }
0x91: {  	[sflag:s18] =	ssyncadd.s32 $0xFFFFD880  }
0x92: {  	_ =	sfence.sel $0x180000  }
0x93: {  	[bflag:$0x0] =	sbarrier.arrive $0xFFFF  }
0x94: {  	_ =	strace $0x9000004A  }
0x95: {  	s0 =	stileid.u32;
	[bflag:$0x2] =	sbarrier.arrive $0xFFFF  }
0x96: {  	p0 =	sne.s32 s0, $0x0;
	s0 =	rddreg [dreg:$0x2]  }
0x97: {  	s0 =	sadd.s32 @!p0 $0x100000, s0  }
0x98: {  	[sflag:s0] =	ssyncadd.tile.s32 @!p0 $0x1;
	_ =	shalt  }
.Lfunc_end2:
_tile_overlayer_lowered:
.L_overlay_start_2:
0x99: {  	(tag) =	ssettag $0x2  }
0x9a: {  	s0 =	rddreg [dreg:$0x0];
	s2 =	stileid.u32  }
0x9b: {  	s1 =	rddreg [dreg:$0x1];
	p0 =	sne.s32 s2, $0x0  }
0x9c: {  	s3 =	rddreg [dreg:$0x2];
	[bflag:$0x3] =	sbarrier.arrive $0xFFFF;
	s2 =	simm.s32 @!p0 $0x1C04  }
0x9d: {  	[timem:s3], [sflag:s2] =	dma.local @!p0 [hbm:s0], s1  }
0x9e: {  	s0 =	simm.s32 @!p0 $0x4  }
0x9f: {  	_ =	swait.ge @!p0 [sflag:s0], s1  }
0xa0: {  	s1 =	ssub.s32 @!p0 $0x0, s1;
	[sflag:s0] =	ssyncset.done @!p0 $0x0  }
0xa1: {  	[sflag:s0] =	ssyncadd.s32 @!p0 s1  }
0xa2: {  	[bflag:$0x3] =	sbarrier.arrive $0xFFFF  }
0xa3: {  	_ =	shalt  }

// kernel: kernel.14.cloned.1.call-start
scs
__scs_entry_jumppad:
0x0: {  	(pc) =	sbr.rel $0x88, $3  }
0x1: {  	(tag) =	ssettag $0x0;
	lr =	simm.s32 $0x1  }
0x2: {  	[smem:$0x3F9B] =	sst lr;
	_ =	strace $0xD0000000  }
0x3: {  	_ = 	snop  }
0x4: {  	_ = 	snop  }
0x5: {  	_ = 	snop  }
0x6: {  	_ = 	snop  }
0x7: {  	_ = 	snop  }
__scs_overlays_trampoline_lowered:
0x8: {  	[smem:$0x3FAA] =	sst s0  }
0x9: {  	[smem:$0x3FAB] =	sst s1  }
0xa: {  	[smem:$0x3FAC] =	sst s2  }
0xb: {  	[smem:$0x3FAD] =	sst s3  }
0xc: {  	[smem:$0x3FAE] =	sst s4  }
0xd: {  	[smem:$0x3FAF] =	sst s5  }
0xe: {  	[smem:$0x3FB0] =	sst s6  }
0xf: {  	[smem:$0x3FB1] =	sst s7  }
0x10: {  	[smem:$0x3FB2] =	sst s8  }
0x11: {  	[smem:$0x3FB3] =	sst s9;
	s0 =	simm.s32 @!p0 $0x0  }
0x12: {  	s1 =	sld [smem:$0x3F99];
	s0 =	simm.s32 @p0 $0x1  }
0x13: {  	[smem:$0x3FB4] =	sst s0;
	s0 =	simm.s32 @!p1 $0x0  }
0x14: {  	s2 =	sld [smem:$0x3F98];
	s0 =	simm.s32 @p1 $0x1  }
0x15: {  	[smem:$0x3FB5] =	sst s0;
	s0 =	simm.s32 @!p2 $0x0  }
0x16: {  	s3 =	sld [smem:$0x3FDB];
	s0 =	simm.s32 @p2 $0x1  }
0x17: {  	s4 =	simm.s32 $0x1BF5;
	[smem:$0x3FB7] =	sst s0  }
0x18: {  	s0 =	sld [smem:$0x3F9A];
	_ =	swait.ge [sflag:s4], $0x0  }
0x19: {  	s7 =	sld [smem:$0x3F9B]  }
0x1a: {  	s8 =	sadd.s32 $0xFFFFE003, lr  }
0x1b: {  	s9 =	sadd.s32 $0xFFFFFEF7, lr;
	s5 =	simm.s32 $0xFFFFFFFF;
	p2 =	slt.u32 s8, $0xFFFFF086  }
0x1c: {  	p1 =	slt.u32 s9, $0xF7A;
	s5 =	simm.s32 @!p2 $0x0  }
0x1d: {  	s5 =	simm.s32 @p1 $0x1;
	p0 =	seq.s32 s7, s2  }
0x1e: {  	s7 =	smul.u32 @!p0 $0xF7A, s2;
	p2 =	seq.s32 @!p0 s5, $0x0  }
0x1f: {  	s9 =	smul.u32 $0xF7A, s1;
	s8 =	simm.s32 @!p0 $0x1BF5;
	p2 =	por !p2, p0  }
0x20: {  	[sflag:s8] =	ssyncset.s32 @!p0 $0xFFFFF086;
	s6 =	sadd.s32 @!p0 s3, s7;
	s7 =	simm.s32 @!p0 $0x108  }
0x21: {  	s3 =	sadd.s32 s3, s9;
	s6 =	sadd.s32 @!p0 $0x88, s6;
	s7 =	simm.s32 @p2 $0x1082  }
0x22: {  	[simem:s7], [sflag:s8] =	dma.local @!p0 [hbm:s6], $0xF7A  }
0x23: {  	s9 =	sor.u32 $0xD0000000, s2;
	s6 =	simm.s32 $0x108;
	_ =	swait.ge @!p0 [sflag:s8], $0x0  }
0x24: {  	s3 =	sadd.s32 $0x88, s3;
	s6 =	simm.s32 @!p1 $0x1082;
	[sflag:s4] =	ssyncset.s32 $0xFFFFF086  }
0x25: {  	[simem:s6], [sflag:s4] =	dma.local [hbm:s3], $0xF7A  }
0x26: {  	[smem:$0x3F9B] =	sst s1;
	(tag) =	ssettag s2;
	_ =	strace s9  }
0x27: {  	s1 =	sld [smem:$0x3FAB]  }
0x28: {  	s2 =	sld [smem:$0x3FAC]  }
0x29: {  	s4 =	sld [smem:$0x3FAE]  }
0x2a: {  	p0 =	seq.s32 s5, $0x0;
	s5 =	sld [smem:$0x3FAF]  }
0x2b: {  	s6 =	sld [smem:$0x3FB0]  }
0x2c: {  	s7 =	sld [smem:$0x3FB1]  }
0x2d: {  	s3 =	simm.s32 $0x108;
	s8 =	sld [smem:$0x3FB2]  }
0x2e: {  	s3 =	simm.s32 @!p0 $0x1082;
	s9 =	sld [smem:$0x3FB3]  }
0x2f: {  	lr =	sadd.s32 s0, s3;
	s0 =	sld [smem:$0x3FAA]  }
0x30: {  	s3 =	sld [smem:$0x3FAD]  }
0x31: {  	[smem:$0x3FB6] =	sst s10  }
0x32: {  	s10 =	sld [smem:$0x3FB4];
	_ =	sdelay $0x3  }
0x33: {  	p0 =	seq.s32 s10, $0x1;
	s10 =	sld [smem:$0x3FB6];
	_ =	sdelay $0x3  }
0x34: {  	[smem:$0x3FB6] =	sst s10  }
0x35: {  	s10 =	sld [smem:$0x3FB5];
	_ =	sdelay $0x3  }
0x36: {  	p1 =	seq.s32 s10, $0x1;
	s10 =	sld [smem:$0x3FB6];
	_ =	sdelay $0x3  }
0x37: {  	[smem:$0x3FB6] =	sst s10  }
0x38: {  	s10 =	sld [smem:$0x3FB7]  }
0x39: {  	_ = 	snop;
	(pc) =	sbr.ind lr, $3  }
0x3a: {  	_ = 	snop  }
0x3b: {  	_ = 	snop  }
0x3c: {  	p2 =	seq.s32 s10, $0x1;
	s10 =	sld [smem:$0x3FB6]  }
0x3d: {  	_ =	shalt  }
0x3e: {  	_ =	shalt  }
0x3f: {  	_ =	shalt  }
0x40: {  	_ =	shalt  }
0x41: {  	_ =	shalt  }
0x42: {  	_ =	shalt  }
0x43: {  	_ =	shalt  }
0x44: {  	_ =	shalt  }
0x45: {  	_ =	shalt  }
0x46: {  	_ =	shalt  }
0x47: {  	_ =	shalt  }
0x48: {  	_ =	shalt  }
0x49: {  	_ =	shalt  }
0x4a: {  	_ =	shalt  }
0x4b: {  	_ =	shalt  }
0x4c: {  	_ =	shalt  }
0x4d: {  	_ =	shalt  }
0x4e: {  	_ =	shalt  }
0x4f: {  	_ =	shalt  }
0x50: {  	_ =	shalt  }
0x51: {  	_ =	shalt  }
0x52: {  	_ =	shalt  }
0x53: {  	_ =	shalt  }
0x54: {  	_ =	shalt  }
0x55: {  	_ =	shalt  }
0x56: {  	_ =	shalt  }
0x57: {  	_ =	shalt  }
0x58: {  	_ =	shalt  }
0x59: {  	_ =	shalt  }
0x5a: {  	_ =	shalt  }
0x5b: {  	_ =	shalt  }
0x5c: {  	_ =	shalt  }
0x5d: {  	_ =	shalt  }
0x5e: {  	_ =	shalt  }
0x5f: {  	_ =	shalt  }
0x60: {  	_ =	shalt  }
0x61: {  	_ =	shalt  }
0x62: {  	_ =	shalt  }
0x63: {  	_ =	shalt  }
0x64: {  	_ =	shalt  }
0x65: {  	_ =	shalt  }
0x66: {  	_ =	shalt  }
0x67: {  	_ =	shalt  }
0x68: {  	_ =	shalt  }
0x69: {  	_ =	shalt  }
0x6a: {  	_ =	shalt  }
0x6b: {  	_ =	shalt  }
0x6c: {  	_ =	shalt  }
0x6d: {  	_ =	shalt  }
0x6e: {  	_ =	shalt  }
0x6f: {  	_ =	shalt  }
0x70: {  	_ =	shalt  }
0x71: {  	_ =	shalt  }
0x72: {  	_ =	shalt  }
0x73: {  	_ =	shalt  }
0x74: {  	_ =	shalt  }
0x75: {  	_ =	shalt  }
0x76: {  	_ =	shalt  }
0x77: {  	_ =	shalt  }
0x78: {  	_ =	shalt  }
0x79: {  	_ =	shalt  }
0x7a: {  	_ =	shalt  }
0x7b: {  	_ =	shalt  }
0x7c: {  	_ =	shalt  }
0x7d: {  	_ =	shalt  }
0x7e: {  	_ =	shalt  }
0x7f: {  	_ =	shalt  }
0x80: {  	_ =	shalt  }
0x81: {  	_ =	shalt  }
0x82: {  	_ =	shalt  }
0x83: {  	_ =	shalt  }
0x84: {  	_ =	shalt  }
0x85: {  	_ =	shalt  }
0x86: {  	_ =	shalt  }
0x87: {  	_ =	shalt  }
.Lfunc_end0:
.L_simem_size_0:
called_computation.2_lowered:
.L_overlay_start_0:
0x88: {  	s2 =	sld [smem:$0x3FD9]  }
0x89: {  	s3 =	sld [smem:$0x3FFE];
	_ =	sdelay $0x1  }
0x8a: {  	s1 =	srdreg.scid  }
0x8b: {  	s0 =	sand.u32 $0x1, s1  }
0x8c: {  	s14 =	sshll.u32 s0, $0xA;
	s2 =	sadd.s32 s3, s2  }
0x8d: {  	s2 =	sadd.s32 s2, s14  }
0x8e: {  	[smem:$0x3FC2] =	sst s2  }
0x8f: {  	_ = 	snop  }
0x90: {  	s2 =	sld [smem:$0x3FD0];
	_ =	sdelay $0x2  }
0x91: {  	s15 =	simm.s32 $0xA;
	s4 =	simm.s32 $0x10  }
0x92: {  	[smem:s4], [sflag:s15] =	dma.local [hbm:s2], $0x1  }
0x93: {  	_ =	swait.eq [sflag:s15], $0x1  }
0x94: {  	[sflag:s15] =	ssyncset.done $0x0  }
0x95: {  	[sflag:s15] =	ssyncadd.s32 $0xFFFFFFFF  }
0x96: {  	s16 =	sld [smem:$0x11];
	(tm) =	ssettm $0x1  }
0x97: {  	s17 =	sld [smem:$0x3FFB];
	_ =	sdelay $0x3  }
0x98: {  	_ =	strace s17  }
0x99: {  	s3 =	sld [smem:$0x3FFC];
	_ =	sdelay $0x3  }
0x9a: {  	_ =	strace s3  }
0x9b: {  	s3 =	sld [smem:$0x3FFD];
	_ =	sdelay $0x3  }
0x9c: {  	_ =	strace s3  }
0x9d: {  	_ =	strace $0x8FFFFFFF  }
0x9e: {  	s18 =	sld [smem:$0x3FDB];
	_ =	sdelay $0x1  }
0x9f: {  	s19 =	simm.s32 $_scs_section_size  }
0xa0: {  	s5 =	simm.s32 $_size__tile_overlayer_lowered;
	s6 =	simm.s32 $_tile_overlayer_lowered  }
0xa1: {  	s22 =	simm.s32 $0x1BFF;
	s21 =	sshll.u32 s6, $0x1;
	s3 =	sadd.s32 s19, s18  }
0xa2: {  	s7 =	simm.s32 $0x0;
	s20 =	sshll.u32 s5, $0x1;
	s5 =	sadd.s32 s21, s3  }
0xa3: {  	[timem:s7], [sflag:s22] =	dma.local [hbm:s5], s20  }
0xa4: {  	_ =	swait.ge [sflag:s22], s20  }
0xa5: {  	s4 =	ssub.s32 $0x0, s20;
	[sflag:s22] =	ssyncset.done $0x0  }
0xa6: {  	[sflag:s22] =	ssyncadd.s32 s4;
	_ =	sdelay $0x1  }
0xa7: {  	s23 =	simm.s32 $0x1B8B  }
0xa8: {  	_ =	swait.ge [sflag:s23], $0x1  }
0xa9: {  	[sflag:s23] =	ssyncset.done $0x0  }
0xaa: {  	s25 =	simm.s32 $0x1B8E;
	s24 =	sld [smem:$0x3FFE];
	[sflag:s23] =	ssyncadd.s32 $0xFFFFFFFF  }
0xab: {  	s26 =	simm.s32 $execute0_lowered;
	[smem:$0x3FD2] =	sst s25  }
0xac: {  	s5 =	sshll.u32 s26, $0x1;
	_ =	strace $0x8000004C;
	[dreg:$0x1] =	wrdreg $0xFFFFFFFF  }
0xad: {  	s28 =	simm.s32 $_size_execute0_lowered;
	s3 =	sadd.s32 s3, s5;
	[dreg:$0x0] =	wrdreg $0x0  }
0xae: {  	s5 =	sshll.u32 s28, $0x1;
	[dreg:$0x2] =	wrdreg s3  }
0xaf: {  	[dreg:$0x3] =	wrdreg s5  }
0xb0: {  	[dreg:$0x4] =	wrdreg $0xC0  }
0xb1: {  	_ =	task [dreg:s7], $0x5FFFF  }
0xb2: {  	[dreg:$0x1] =	wrdreg $0xFFFFFFFF  }
0xb3: {  	[dreg:$0x0] =	wrdreg $0x60  }
0xb4: {  	[dreg:$0x2] =	wrdreg s16  }
0xb5: {  	[dreg:$0x3] =	wrdreg s24  }
0xb6: {  	[dreg:$0x4] =	wrdreg $0x78000  }
0xb7: {  	[dreg:$0x5] =	wrdreg $0x9  }
0xb8: {  	_ =	task.clear_ibuf [dreg:s7], $0x6FFFF;
	_ =	strace $0x9000004C  }
0xb9: {  	s29 =	simm.s32 $0x9;
	_ =	strace $0x8000004E  }
0xba: {  	_ =	swait.ge [sflag:s29], $0x1  }
0xbb: {  	[sflag:s29] =	ssyncadd.s32 $0xFFFFFFFF  }
0xbc: {  	_ =	strace $0x9000004E  }
0xbd: {  	_ =	sfence  }
0xbe: {  	s30 =	sld [smem:$0x0];
	_ =	sdelay $0x2  }
0xbf: {  	s31 =	sshll.u32 s1, $0xD;
	s1 =	sshrl.u32 s1, $0x2  }
0xc0: {  	s3 =	sand.u32 $0x4000, s31;
	s1 =	sadd.s32 s1, s30  }
0xc1: {  	s0 =	sor.u32 s3, s0;
	s1 =	sshll.u32 s1, $0x11  }
0xc2: {  	s0 =	sor.u32 s1, s0  }
0xc3: {  	s0 =	sadd.s32 $0x8F2B, s0  }
0xc4: {  	[sflag:s0] =	ssyncadd.remote.s32 $0x1  }
0xc5: {  	_ =	sfence.sel $0xFFFF  }
0xc6: {  	[dreg:$0x0] =	wrdreg $0xFFFFFFFF;
	(pc) =	sbr.abs _section_cstart, $3  }
0xc7: {  	[dreg:$0x1] =	wrdreg $0xFFFFFFFF  }
0xc8: {  	_ =	task.clear_ibuf [dreg:s7], $0x2FFFF;
	_ =	strace $0x9FFFFFFF  }
0xc9: {  	(tm) =	ssettm $0x7FFFFFFF  }
tec
execute0_lowered:
.L_overlay_start_1:
0x0: {  	(tag) =	ssettag $0x1  }
0x1: {  	s1 =	rddreg [dreg:$0x0]  }
0x2: {  	s0 =	srdreg.scid;
	s7 =	rddreg [dreg:$0x1]  }
0x3: {  	s11 =	stileid.u32;
	s3 =	rddreg [dreg:$0x2];
	s5 =	simm.s32 $0x0  }
0x4: {  	s17 =	simm.s32 $0x3800;
	s18 =	simm.s32 $0x4;
	s19 =	simm.s32 $0x1  }
0x5: {  	s20 =	simm.s32 $0x80;
	s21 =	simm.s32 $0x5800;
	s22 =	simm.s32 $0x2  }
0x6: {  	s25 =	simm.s32 $0x0;
	s0 =	sand.u32 $0x1, s0;
	s29 =	smul.u32 $0x9E00, s11  }
0x7: {  	s2 =	sshll.u32 s11, $0x1;
	[smem:$0x7FF] =	sst s5;
	s11 =	smul.u32 $0x27800, s11  }
0x8: {  	s2 =	sor.u32 s0, s2;
	s6 =	smul.u32 $0x9E000, s0;
	s0 =	ssub.s32 $0x2, s0  }
0x9: {  	_ =	strace $0x8000004D;
	s4 =	smul.u32 $0x2800, s2;
	s30 =	sshrl.u32 s0, $0x1  }
0xa: {  	s31 =	sshrl.u32 s11, $0x2;
	s10 =	sadd.s32 s29, s6;
	s6 =	sadd.s32 $0x2600, s7  }
0xb: {  	s0 =	ssub.s32 s0, s30;
	s13 =	sadd.s32 s31, s3;
	s8 =	sshrl.u32 s4, $0x3  }
0xc: {  	s10 =	sshrl.u32 s10, $0x3;
	s11 =	sadd.s32 $0x4000, s13;
	s12 =	sadd.s32 $0x6000, s13  }
0xd: {  	s15 =	smax.u32 s0, $0x1;
	s9 =	sadd.s32 s8, s7;
	s14 =	sadd.s32 s10, s7  }
0xe: {  	s8 =	sadd.s32 s6, s8;
	s10 =	sadd.s32 $0x2000, s13;
	s13 =	sadd.s32 $0x8000, s13  }
0xf: {  	v0 =	vimm.f32 $0.0e+00;
	s7 =	sadd.s32 $0xC600, s9;
	s9 =	sadd.s32 s29, s3;
	s14 =	sadd.s32 $0x16600, s14  }
.LBB2_1:
0x10: {  	[tilespmem:s5], [sflag:$0x1] =	stream.linear.gather [hbm4b:s7+s5], $0x2800, $0x38;
	[tilespmem:$0x11600] =	vst v63  }
0x11: {  	s0 =	simm.s32 $0x2800  }
0x12: {  	[tilespmem:s0], [sflag:$0x3] =	stream.linear.gather [hbm4b:s8+s5], $0x800, $0x38;
	[tilespmem:$0x11600] =	vst v63  }
0x13: {  	s2 =	simm.s32 $0x100;
	s0 =	simm.s32 $0x0  }
.LBB2_2:
0x14: {  	p0 =	sne.s32 s2, $0x7F00;
	[tilespmem:s0+$0x3830] =	vst v0;
	s26 =	smov.u32 s2;
	s2 =	sadd.s32 $0x100, s2  }
.Ltmp0:
0x15: {  	[tilespmem:s0+$0x3820] =	vst v0;
	(pc) =	sbr.rel @p0 .LBB2_2-.Ltmp0, $3  }
0x16: {  	[tilespmem:s0+$0x3800] =	vst v0  }
0x17: {  	[tilespmem:s0+$0x3810] =	vst v0;
	_ =	sdelay $0x1  }
0x18: {  	s0 =	sshra.s32 s26, $0x2  }
0x19: {  	[tilespmem:s0+$0x3830] =	vst v0  }
0x1a: {  	[tilespmem:s0+$0x3820] =	vst v0  }
0x1b: {  	[tilespmem:s0+$0x3800] =	vst v0  }
0x1c: {  	[tilespmem:s0+$0x3810] =	vst v0  }
0x1d: {  	[spmem:s9] =	stream.linear.scatter [tilespmem:s17], [sflag:$0x4], $0x2000, $0x38;
	[tilespmem:$0x11600] =	vst v63  }
0x1e: {  	_ =	swait.ge [sflag:s18], $0x2000  }
0x1f: {  	[sflag:s18] =	ssyncset.done $0x0  }
0x20: {  	[sflag:s18] =	ssyncadd.s32 $0xFFFFE000  }
0x21: {  	[spmem:s10] =	stream.linear.scatter [tilespmem:s17], [sflag:$0x4], $0x2000, $0x38;
	[tilespmem:$0x11600] =	vst v63  }
0x22: {  	_ =	swait.ge [sflag:s18], $0x2000  }
0x23: {  	[sflag:s18] =	ssyncset.done $0x0  }
0x24: {  	[sflag:s18] =	ssyncadd.s32 $0xFFFFE000  }
0x25: {  	[spmem:s11] =	stream.linear.scatter [tilespmem:s17], [sflag:$0x4], $0x2000, $0x38;
	[tilespmem:$0x11600] =	vst v63  }
0x26: {  	_ =	swait.ge [sflag:s18], $0x2000  }
0x27: {  	[sflag:s18] =	ssyncset.done $0x0  }
0x28: {  	[sflag:s18] =	ssyncadd.s32 $0xFFFFE000  }
0x29: {  	[spmem:s12] =	stream.linear.scatter [tilespmem:s17], [sflag:$0x4], $0x2000, $0x38;
	[tilespmem:$0x11600] =	vst v63  }
0x2a: {  	_ =	swait.ge [sflag:s18], $0x2000  }
0x2b: {  	[sflag:s18] =	ssyncset.done $0x0  }
0x2c: {  	[sflag:s18] =	ssyncadd.s32 $0xFFFFE000  }
0x2d: {  	[spmem:s13] =	stream.linear.scatter [tilespmem:s17], [sflag:$0x4], $0x1E00, $0x38;
	[tilespmem:$0x11600] =	vst v63  }
0x2e: {  	_ =	swait.ge [sflag:s18], $0x1E00  }
0x2f: {  	[sflag:s18] =	ssyncset.done $0x0  }
0x30: {  	s16 =	simm.s32 $0x0;
	[sflag:s18] =	ssyncadd.s32 $0xFFFFE200  }
0x31: {  	s0 =	sand.u32 $0xE, s16;
	_ =	swait.ge [sflag:s19], $0x2800  }
0x32: {  	p0 =	sne.s32 s0, $0x0;
	[sflag:s19] =	ssyncset.done $0x0  }
0x33: {  	p1 =	por @!p0 $0x0, $0x0;
	[sflag:s19] =	ssyncadd.s32 $0xFFFFD800  }
0x34: {  	p1 =	por p1, p0;
	[bflag:$0x0] =	sbarrier.arrive $0xFFFF  }
0x35: {  	[tilespmem:s17], [sflag:$0x1] =	stream.indirect.gather [hbm4b:s1+s20], $0x40, s16, s20, $0xb8;
	[tilespmem:$0x11600] =	vst v63  }
0x36: {  	s29 =	simm.s32 $0x0;
	s2 =	simm.s32 @!p0 $0x3;
	s26 =	simm.s32 @!p1 $0x800  }
0x37: {  	[tilespmem:s21], [sflag:$0x2] =	stream.indirect.gather [hbm4b:s1+s20], $0x40, s20, s20, $0xb8;
	[tilespmem:$0x11600] =	vst v63  }
0x38: {  	s28 =	sadd.s32 @!p1 $0x800, s4;
	s26 =	sand.u32 @!p1 $0x800, s26;
	_ =	swait.ge @!p0 [sflag:s2], $0x800  }
0x39: {  	s28 =	sshrl.u32 @!p1 s28, $0x3;
	s26 =	sadd.s32 @!p1 $0x2800, s26;
	[sflag:s2] =	ssyncset.done @!p0 $0x0  }
0x3a: {  	s28 =	sadd.s32 @!p1 s6, s28;
	[sflag:s2] =	ssyncadd.s32 @!p0 $0xFFFFF800;
	s2 =	simm.s32 @!p1 $0x0  }
0x3b: {  	[tilespmem:s26], [sflag:$0x3] =	stream.linear.gather @!p1 [hbm4b:s28+s2], $0x800, $0x38;
	[tilespmem:$0x11600] =	vst v63  }
0x3c: {  	s23 =	sand.u32 $0x800, s29;
	s0 =	sshll.u32 s0, $0x7;
	_ =	swait.ge [sflag:s19], $0x2000  }
0x3d: {  	s0 =	sor.u32 s0, s23;
	[sflag:s19] =	ssyncset.done $0x0  }
0x3e: {  	s2 =	sadd.s32 $0x2800, s0;
	[sflag:s19] =	ssyncadd.s32 $0xFFFFE000  }
0x3f: {  	[spmem:s3] =	stream.indirect.scatter.add.f32 [tilespmem:s17], [sflag:$0x4], $0x40, s2, s20, $0xb8;
	[tilespmem:$0x11600] =	vst v63  }
0x40: {  	s30 =	simm.s32 $0x2;
	_ =	swait.ge [sflag:s18], $0x2000  }
0x41: {  	s24 =	simm.s32 $0x100;
	s31 =	simm.s32 $0x180;
	[sflag:s18] =	ssyncset.done $0x0  }
0x42: {  	s29 =	simm.s32 $0x2;
	s28 =	sand.u32 $0xE, s30;
	[sflag:s18] =	ssyncadd.s32 $0xFFFFE000  }
0x43: {  	[tilespmem:s17], [sflag:$0x1] =	stream.indirect.gather [hbm4b:s1+s20], $0x40, s24, s20, $0xb8;
	[tilespmem:$0x11600] =	vst v63  }
0x44: {  	s26 =	simm.s32 $0x180;
	p0 =	sne.s32 s28, $0x0;
	_ =	swait.ge [sflag:s22], $0x2000  }
0x45: {  	s0 =	sadd.s32 $0x2880, s0;
	p1 =	por @!p0 $0x0, $0x0;
	[sflag:s22] =	ssyncset.done $0x0  }
0x46: {  	p1 =	por p1, p0;
	s2 =	simm.s32 $0x0;
	[sflag:s22] =	ssyncadd.s32 $0xFFFFE000  }
.LBB2_4:
0x47: {  	s16 =	sshll.u32 @!p1 s2, $0xB  }
0x48: {  	s26 =	sadd.s32 $0x100, s26;
	s23 =	smov.u32 s29;
	s29 =	sadd.s32 $0x1, s29  }
0x49: {  	[spmem:s3] =	stream.indirect.scatter.add.f32 [tilespmem:s21], [sflag:$0x4], $0x40, s0, s20, $0xb8;
	[tilespmem:$0x11600] =	vst v63  }
0x4a: {  	s0 =	simm.s32 @!p0 $0x3;
	s16 =	sadd.s32 @!p1 $0x800, s16;
	_ =	swait.ge [sflag:s18], $0x2000  }
0x4b: {  	s24 =	sadd.s32 @!p1 s4, s16;
	s16 =	sand.u32 @!p1 $0x800, s16;
	[sflag:s18] =	ssyncset.done $0x0  }
0x4c: {  	s16 =	sadd.s32 @!p1 $0x2800, s16;
	s24 =	sshrl.u32 @!p1 s24, $0x3;
	[sflag:s18] =	ssyncadd.s32 $0xFFFFE000  }
0x4d: {  	[tilespmem:s21], [sflag:$0x2] =	stream.indirect.gather [hbm4b:s1+s20], $0x40, s31, s20, $0xb8;
	[tilespmem:$0x11600] =	vst v63  }
0x4e: {  	p2 =	sne.s32 s29, $0x27;
	s24 =	sadd.s32 @!p1 s6, s24;
	_ =	swait.ge @!p0 [sflag:s0], $0x800  }
0x4f: {  	s31 =	smov.u32 s26;
	[sflag:s0] =	ssyncset.done @!p0 $0x0  }
0x50: {  	s2 =	sshll.u32 s2, $0xB;
	[sflag:s0] =	ssyncadd.s32 @!p0 $0xFFFFF800;
	s0 =	simm.s32 @!p1 $0x0  }
0x51: {  	[tilespmem:s16], [sflag:$0x3] =	stream.linear.gather @!p1 [hbm4b:s24+s0], $0x800, $0x38;
	[tilespmem:$0x11600] =	vst v63  }
0x52: {  	s0 =	sand.u32 $0x800, s2;
	s2 =	sshll.u32 s28, $0x7;
	_ =	swait.ge [sflag:s19], $0x2000  }
0x53: {  	s0 =	sor.u32 s2, s0;
	[sflag:s19] =	ssyncset.done $0x0  }
0x54: {  	s2 =	sadd.s32 $0x2800, s0;
	[sflag:s19] =	ssyncadd.s32 $0xFFFFE000  }
0x55: {  	[spmem:s3] =	stream.indirect.scatter.add.f32 [tilespmem:s17], [sflag:$0x4], $0x40, s2, s20, $0xb8;
	[tilespmem:$0x11600] =	vst v63  }
0x56: {  	s30 =	sadd.s32 $0x2, s30;
	_ =	swait.ge [sflag:s18], $0x2000  }
0x57: {  	s28 =	sand.u32 $0xE, s30;
	[sflag:s18] =	ssyncset.done $0x0  }
.Ltmp1:
0x58: {  	s2 =	sadd.s32 $0xFFFFFF80, s26;
	[sflag:s18] =	ssyncadd.s32 $0xFFFFE000;
	(pc) =	sbr.rel @p2 .LBB2_4-.Ltmp1, $4  }
0x59: {  	[tilespmem:s17], [sflag:$0x1] =	stream.indirect.gather [hbm4b:s1+s20], $0x40, s2, s20, $0xb8;
	[tilespmem:$0x11600] =	vst v63  }
0x5a: {  	p0 =	sne.s32 s28, $0x0;
	s0 =	sadd.s32 $0x2880, s0;
	_ =	swait.ge [sflag:s22], $0x2000  }
0x5b: {  	p1 =	sgt.u32 @!p0 s23, $0x1F;
	[sflag:s22] =	ssyncset.done $0x0  }
0x5c: {  	p1 =	por p1, p0;
	s2 =	sshrl.u32 s23, $0x3;
	[sflag:s22] =	ssyncadd.s32 $0xFFFFE000  }
0x5d: {  	[spmem:s3] =	stream.indirect.scatter.add.f32 [tilespmem:s21], [sflag:$0x4], $0x40, s0, s20, $0xb8;
	[tilespmem:$0x11600] =	vst v63  }
0x5e: {  	s0 =	sshll.u32 @!p1 s2, $0xB;
	_ =	swait.ge [sflag:s18], $0x2000  }
0x5f: {  	s0 =	sadd.s32 @!p1 $0x800, s0;
	[sflag:s18] =	ssyncset.done $0x0  }
0x60: {  	s16 =	simm.s32 @!p0 $0x3;
	s23 =	sadd.s32 @!p1 s4, s0;
	[sflag:s18] =	ssyncadd.s32 $0xFFFFE000  }
0x61: {  	[tilespmem:s21], [sflag:$0x2] =	stream.indirect.gather [hbm4b:s1+s20], $0x40, s31, s20, $0xb8;
	[tilespmem:$0x11600] =	vst v63  }
0x62: {  	s0 =	sand.u32 @!p1 $0x800, s0;
	s23 =	sshrl.u32 @!p1 s23, $0x3;
	_ =	swait.ge @!p0 [sflag:s16], $0x800  }
0x63: {  	s0 =	sadd.s32 @!p1 $0x2800, s0;
	s23 =	sadd.s32 @!p1 s6, s23;
	[sflag:s16] =	ssyncset.done @!p0 $0x0  }
0x64: {  	s31 =	sshll.u32 s2, $0xB;
	[sflag:s16] =	ssyncadd.s32 @!p0 $0xFFFFF800;
	s16 =	simm.s32 @!p1 $0x0  }
0x65: {  	[tilespmem:s0], [sflag:$0x3] =	stream.linear.gather @!p1 [hbm4b:s23+s16], $0x800, $0x38;
	[tilespmem:$0x11600] =	vst v63  }
0x66: {  	s16 =	sand.u32 $0x800, s31;
	s23 =	sshll.u32 s28, $0x7;
	_ =	swait.ge [sflag:s19], $0x2000  }
0x67: {  	s0 =	sor.u32 s23, s16;
	[sflag:s19] =	ssyncset.done $0x0  }
0x68: {  	s2 =	sadd.s32 $0x2800, s0;
	[sflag:s19] =	ssyncadd.s32 $0xFFFFE000  }
0x69: {  	[spmem:s3] =	stream.indirect.scatter.add.f32 [tilespmem:s17], [sflag:$0x4], $0x40, s2, s20, $0xb8;
	[tilespmem:$0x11600] =	vst v63  }
0x6a: {  	_ =	swait.ge [sflag:s18], $0x2000  }
0x6b: {  	s24 =	sadd.s32 $0x100, s26;
	[sflag:s18] =	ssyncset.done $0x0  }
0x6c: {  	s26 =	sadd.s32 $0xFFFFFF80, s24;
	[sflag:s18] =	ssyncadd.s32 $0xFFFFE000  }
0x6d: {  	[tilespmem:s17], [sflag:$0x1] =	stream.indirect.gather [hbm4b:s1+s20], $0x40, s26, s20, $0xb8;
	[tilespmem:$0x11600] =	vst v63  }
0x6e: {  	_ =	swait.ge [sflag:s22], $0x2000  }
0x6f: {  	[sflag:s22] =	ssyncset.done $0x0  }
0x70: {  	s0 =	sadd.s32 $0x2880, s0;
	[sflag:s22] =	ssyncadd.s32 $0xFFFFE000  }
0x71: {  	[spmem:s3] =	stream.indirect.scatter.add.f32 [tilespmem:s21], [sflag:$0x4], $0x40, s0, s20, $0xb8;
	[tilespmem:$0x11600] =	vst v63  }
0x72: {  	_ =	swait.ge [sflag:s18], $0x2000  }
0x73: {  	[sflag:s18] =	ssyncset.done $0x0  }
0x74: {  	[sflag:s18] =	ssyncadd.s32 $0xFFFFE000  }
0x75: {  	[tilespmem:s21], [sflag:$0x2] =	stream.indirect.gather [hbm4b:s1+s20], $0x40, s24, s20, $0xb8;
	[tilespmem:$0x11600] =	vst v63  }
0x76: {  	_ =	swait.ge [sflag:s19], $0x2000  }
0x77: {  	[sflag:s19] =	ssyncset.done $0x0  }
0x78: {  	s28 =	simm.s32 $0x2F00;
	[sflag:s19] =	ssyncadd.s32 $0xFFFFE000  }
0x79: {  	[spmem:s3] =	stream.indirect.scatter.add.f32 [tilespmem:s17], [sflag:$0x4], $0x40, s28, s20, $0xb8;
	[tilespmem:$0x11600] =	vst v63  }
0x7a: {  	_ =	swait.ge [sflag:s18], $0x2000  }
0x7b: {  	[sflag:s18] =	ssyncset.done $0x0  }
0x7c: {  	[sflag:s18] =	ssyncadd.s32 $0xFFFFE000  }
0x7d: {  	_ =	swait.ge [sflag:s22], $0x2000  }
0x7e: {  	[sflag:s22] =	ssyncset.done $0x0  }
0x7f: {  	s29 =	simm.s32 $0x2F80;
	[sflag:s22] =	ssyncadd.s32 $0xFFFFE000  }
0x80: {  	[spmem:s3] =	stream.indirect.scatter.add.f32 [tilespmem:s21], [sflag:$0x4], $0x40, s29, s20, $0xb8;
	[tilespmem:$0x11600] =	vst v63  }
0x81: {  	s25 =	sadd.s32 $0x1, s25;
	_ =	swait.ge [sflag:s18], $0x2000  }
0x82: {  	s30 =	stileid.u32;
	p0 =	sne.s32 s25, s15;
	[sflag:s18] =	ssyncset.done $0x0  }
0x83: {  	s31 =	sshrl.u32 s9, $0x3;
	s0 =	sshll.u32 s30, $0x6;
	[sflag:s18] =	ssyncadd.s32 $0xFFFFE000  }
.Ltmp2:
0x84: {  	s0 =	sor.u32 $0x1C04, s0;
	[bflag:$0x0] =	sbarrier.arrive $0xFFFF;
	(pc) =	sbr.rel @p0 .LBB2_1-.Ltmp2, $4  }
0x85: {  	[hbm:s14], [sflag:s0] =	dma.local [spmem:s31], $0x13C0  }
0x86: {  	_ =	swait.ge [sflag:s18], $0x13C0  }
0x87: {  	[sflag:s18] =	ssyncset.done $0x0  }
0x88: {  	[sflag:s18] =	ssyncadd.s32 $0xFFFFEC40  }
0x89: {  	_ =	sfence.sel $0x180000  }
0x8a: {  	[bflag:$0x0] =	sbarrier.arrive $0xFFFF  }
0x8b: {  	_ =	strace $0x9000004D  }
0x8c: {  	s0 =	stileid.u32;
	[bflag:$0x2] =	sbarrier.arrive $0xFFFF  }
0x8d: {  	p0 =	sne.s32 s0, $0x0;
	s0 =	rddreg [dreg:$0x3]  }
0x8e: {  	s0 =	sadd.s32 @!p0 $0x100000, s0  }
0x8f: {  	[sflag:s0] =	ssyncadd.tile.s32 @!p0 $0x1;
	_ =	shalt  }
.Lfunc_end2:
_tile_overlayer_lowered:
.L_overlay_start_2:
0x90: {  	(tag) =	ssettag $0x2  }
0x91: {  	s0 =	rddreg [dreg:$0x0];
	s2 =	stileid.u32  }
0x92: {  	s1 =	rddreg [dreg:$0x1];
	p0 =	sne.s32 s2, $0x0  }
0x93: {  	s3 =	rddreg [dreg:$0x2];
	[bflag:$0x3] =	sbarrier.arrive $0xFFFF;
	s2 =	simm.s32 @!p0 $0x1C04  }
0x94: {  	[timem:s3], [sflag:s2] =	dma.local @!p0 [hbm:s0], s1  }
0x95: {  	s0 =	simm.s32 @!p0 $0x4  }
0x96: {  	_ =	swait.ge @!p0 [sflag:s0], s1  }
0x97: {  	s1 =	ssub.s32 @!p0 $0x0, s1;
	[sflag:s0] =	ssyncset.done @!p0 $0x0  }
0x98: {  	[sflag:s0] =	ssyncadd.s32 @!p0 s1  }
0x99: {  	[bflag:$0x3] =	sbarrier.arrive $0xFFFF  }
0x9a: {  	_ =	shalt  }

// kernel: kernel.8.cloned.1.call-start
scs
__scs_entry_jumppad:
0x0: {  	(pc) =	sbr.rel $0x88, $3  }
0x1: {  	(tag) =	ssettag $0x0;
	lr =	simm.s32 $0x1  }
0x2: {  	[smem:$0x3F9B] =	sst lr;
	_ =	strace $0xD0000000  }
0x3: {  	_ = 	snop  }
0x4: {  	_ = 	snop  }
0x5: {  	_ = 	snop  }
0x6: {  	_ = 	snop  }
0x7: {  	_ = 	snop  }
__scs_overlays_trampoline_lowered:
0x8: {  	[smem:$0x3FAA] =	sst s0  }
0x9: {  	[smem:$0x3FAB] =	sst s1  }
0xa: {  	[smem:$0x3FAC] =	sst s2  }
0xb: {  	[smem:$0x3FAD] =	sst s3  }
0xc: {  	[smem:$0x3FAE] =	sst s4  }
0xd: {  	[smem:$0x3FAF] =	sst s5  }
0xe: {  	[smem:$0x3FB0] =	sst s6  }
0xf: {  	[smem:$0x3FB1] =	sst s7  }
0x10: {  	[smem:$0x3FB2] =	sst s8  }
0x11: {  	[smem:$0x3FB3] =	sst s9;
	s0 =	simm.s32 @!p0 $0x0  }
0x12: {  	s1 =	sld [smem:$0x3F99];
	s0 =	simm.s32 @p0 $0x1  }
0x13: {  	[smem:$0x3FB4] =	sst s0;
	s0 =	simm.s32 @!p1 $0x0  }
0x14: {  	s2 =	sld [smem:$0x3F98];
	s0 =	simm.s32 @p1 $0x1  }
0x15: {  	[smem:$0x3FB5] =	sst s0;
	s0 =	simm.s32 @!p2 $0x0  }
0x16: {  	s3 =	sld [smem:$0x3FDB];
	s0 =	simm.s32 @p2 $0x1  }
0x17: {  	s4 =	simm.s32 $0x1BF5;
	[smem:$0x3FB7] =	sst s0  }
0x18: {  	s0 =	sld [smem:$0x3F9A];
	_ =	swait.ge [sflag:s4], $0x0  }
0x19: {  	s7 =	sld [smem:$0x3F9B]  }
0x1a: {  	s8 =	sadd.s32 $0xFFFFE003, lr  }
0x1b: {  	s9 =	sadd.s32 $0xFFFFFEF7, lr;
	s5 =	simm.s32 $0xFFFFFFFF;
	p2 =	slt.u32 s8, $0xFFFFF086  }
0x1c: {  	p1 =	slt.u32 s9, $0xF7A;
	s5 =	simm.s32 @!p2 $0x0  }
0x1d: {  	s5 =	simm.s32 @p1 $0x1;
	p0 =	seq.s32 s7, s2  }
0x1e: {  	s7 =	smul.u32 @!p0 $0xF7A, s2;
	p2 =	seq.s32 @!p0 s5, $0x0  }
0x1f: {  	s9 =	smul.u32 $0xF7A, s1;
	s8 =	simm.s32 @!p0 $0x1BF5;
	p2 =	por !p2, p0  }
0x20: {  	[sflag:s8] =	ssyncset.s32 @!p0 $0xFFFFF086;
	s6 =	sadd.s32 @!p0 s3, s7;
	s7 =	simm.s32 @!p0 $0x108  }
0x21: {  	s3 =	sadd.s32 s3, s9;
	s6 =	sadd.s32 @!p0 $0x88, s6;
	s7 =	simm.s32 @p2 $0x1082  }
0x22: {  	[simem:s7], [sflag:s8] =	dma.local @!p0 [hbm:s6], $0xF7A  }
0x23: {  	s9 =	sor.u32 $0xD0000000, s2;
	s6 =	simm.s32 $0x108;
	_ =	swait.ge @!p0 [sflag:s8], $0x0  }
0x24: {  	s3 =	sadd.s32 $0x88, s3;
	s6 =	simm.s32 @!p1 $0x1082;
	[sflag:s4] =	ssyncset.s32 $0xFFFFF086  }
0x25: {  	[simem:s6], [sflag:s4] =	dma.local [hbm:s3], $0xF7A  }
0x26: {  	[smem:$0x3F9B] =	sst s1;
	(tag) =	ssettag s2;
	_ =	strace s9  }
0x27: {  	s1 =	sld [smem:$0x3FAB]  }
0x28: {  	s2 =	sld [smem:$0x3FAC]  }
0x29: {  	s4 =	sld [smem:$0x3FAE]  }
0x2a: {  	p0 =	seq.s32 s5, $0x0;
	s5 =	sld [smem:$0x3FAF]  }
0x2b: {  	s6 =	sld [smem:$0x3FB0]  }
0x2c: {  	s7 =	sld [smem:$0x3FB1]  }
0x2d: {  	s3 =	simm.s32 $0x108;
	s8 =	sld [smem:$0x3FB2]  }
0x2e: {  	s3 =	simm.s32 @!p0 $0x1082;
	s9 =	sld [smem:$0x3FB3]  }
0x2f: {  	lr =	sadd.s32 s0, s3;
	s0 =	sld [smem:$0x3FAA]  }
0x30: {  	s3 =	sld [smem:$0x3FAD]  }
0x31: {  	[smem:$0x3FB6] =	sst s10  }
0x32: {  	s10 =	sld [smem:$0x3FB4];
	_ =	sdelay $0x3  }
0x33: {  	p0 =	seq.s32 s10, $0x1;
	s10 =	sld [smem:$0x3FB6];
	_ =	sdelay $0x3  }
0x34: {  	[smem:$0x3FB6] =	sst s10  }
0x35: {  	s10 =	sld [smem:$0x3FB5];
	_ =	sdelay $0x3  }
0x36: {  	p1 =	seq.s32 s10, $0x1;
	s10 =	sld [smem:$0x3FB6];
	_ =	sdelay $0x3  }
0x37: {  	[smem:$0x3FB6] =	sst s10  }
0x38: {  	s10 =	sld [smem:$0x3FB7]  }
0x39: {  	_ = 	snop;
	(pc) =	sbr.ind lr, $3  }
0x3a: {  	_ = 	snop  }
0x3b: {  	_ = 	snop  }
0x3c: {  	p2 =	seq.s32 s10, $0x1;
	s10 =	sld [smem:$0x3FB6]  }
0x3d: {  	_ =	shalt  }
0x3e: {  	_ =	shalt  }
0x3f: {  	_ =	shalt  }
0x40: {  	_ =	shalt  }
0x41: {  	_ =	shalt  }
0x42: {  	_ =	shalt  }
0x43: {  	_ =	shalt  }
0x44: {  	_ =	shalt  }
0x45: {  	_ =	shalt  }
0x46: {  	_ =	shalt  }
0x47: {  	_ =	shalt  }
0x48: {  	_ =	shalt  }
0x49: {  	_ =	shalt  }
0x4a: {  	_ =	shalt  }
0x4b: {  	_ =	shalt  }
0x4c: {  	_ =	shalt  }
0x4d: {  	_ =	shalt  }
0x4e: {  	_ =	shalt  }
0x4f: {  	_ =	shalt  }
0x50: {  	_ =	shalt  }
0x51: {  	_ =	shalt  }
0x52: {  	_ =	shalt  }
0x53: {  	_ =	shalt  }
0x54: {  	_ =	shalt  }
0x55: {  	_ =	shalt  }
0x56: {  	_ =	shalt  }
0x57: {  	_ =	shalt  }
0x58: {  	_ =	shalt  }
0x59: {  	_ =	shalt  }
0x5a: {  	_ =	shalt  }
0x5b: {  	_ =	shalt  }
0x5c: {  	_ =	shalt  }
0x5d: {  	_ =	shalt  }
0x5e: {  	_ =	shalt  }
0x5f: {  	_ =	shalt  }
0x60: {  	_ =	shalt  }
0x61: {  	_ =	shalt  }
0x62: {  	_ =	shalt  }
0x63: {  	_ =	shalt  }
0x64: {  	_ =	shalt  }
0x65: {  	_ =	shalt  }
0x66: {  	_ =	shalt  }
0x67: {  	_ =	shalt  }
0x68: {  	_ =	shalt  }
0x69: {  	_ =	shalt  }
0x6a: {  	_ =	shalt  }
0x6b: {  	_ =	shalt  }
0x6c: {  	_ =	shalt  }
0x6d: {  	_ =	shalt  }
0x6e: {  	_ =	shalt  }
0x6f: {  	_ =	shalt  }
0x70: {  	_ =	shalt  }
0x71: {  	_ =	shalt  }
0x72: {  	_ =	shalt  }
0x73: {  	_ =	shalt  }
0x74: {  	_ =	shalt  }
0x75: {  	_ =	shalt  }
0x76: {  	_ =	shalt  }
0x77: {  	_ =	shalt  }
0x78: {  	_ =	shalt  }
0x79: {  	_ =	shalt  }
0x7a: {  	_ =	shalt  }
0x7b: {  	_ =	shalt  }
0x7c: {  	_ =	shalt  }
0x7d: {  	_ =	shalt  }
0x7e: {  	_ =	shalt  }
0x7f: {  	_ =	shalt  }
0x80: {  	_ =	shalt  }
0x81: {  	_ =	shalt  }
0x82: {  	_ =	shalt  }
0x83: {  	_ =	shalt  }
0x84: {  	_ =	shalt  }
0x85: {  	_ =	shalt  }
0x86: {  	_ =	shalt  }
0x87: {  	_ =	shalt  }
.Lfunc_end0:
.L_simem_size_0:
called_computation_lowered:
.L_overlay_start_0:
0x88: {  	s2 =	sld [smem:$0x3FD9]  }
0x89: {  	s3 =	sld [smem:$0x3FFE];
	_ =	sdelay $0x1  }
0x8a: {  	s1 =	srdreg.scid  }
0x8b: {  	s0 =	sand.u32 $0x1, s1  }
0x8c: {  	s14 =	sshll.u32 s0, $0xA;
	s2 =	sadd.s32 s3, s2  }
0x8d: {  	s2 =	sadd.s32 s2, s14  }
0x8e: {  	[smem:$0x3FC2] =	sst s2  }
0x8f: {  	_ = 	snop  }
0x90: {  	s2 =	sld [smem:$0x3FD0];
	_ =	sdelay $0x2  }
0x91: {  	s15 =	simm.s32 $0xA;
	s4 =	simm.s32 $0x10  }
0x92: {  	[smem:s4], [sflag:s15] =	dma.local [hbm:s2], $0x1  }
0x93: {  	_ =	swait.eq [sflag:s15], $0x1  }
0x94: {  	[sflag:s15] =	ssyncset.done $0x0  }
0x95: {  	[sflag:s15] =	ssyncadd.s32 $0xFFFFFFFF  }
0x96: {  	s16 =	sld [smem:$0x11];
	(tm) =	ssettm $0x1  }
0x97: {  	s17 =	sld [smem:$0x3FFB];
	_ =	sdelay $0x3  }
0x98: {  	_ =	strace s17  }
0x99: {  	s3 =	sld [smem:$0x3FFC];
	_ =	sdelay $0x3  }
0x9a: {  	_ =	strace s3  }
0x9b: {  	s3 =	sld [smem:$0x3FFD];
	_ =	sdelay $0x3  }
0x9c: {  	_ =	strace s3  }
0x9d: {  	_ =	strace $0x8FFFFFFF  }
0x9e: {  	s18 =	sld [smem:$0x3FDB];
	_ =	sdelay $0x1  }
0x9f: {  	s19 =	simm.s32 $_scs_section_size  }
0xa0: {  	s5 =	simm.s32 $_size__tile_overlayer_lowered;
	s6 =	simm.s32 $_tile_overlayer_lowered  }
0xa1: {  	s22 =	simm.s32 $0x1BFF;
	s21 =	sshll.u32 s6, $0x1;
	s3 =	sadd.s32 s19, s18  }
0xa2: {  	s7 =	simm.s32 $0x0;
	s20 =	sshll.u32 s5, $0x1;
	s5 =	sadd.s32 s21, s3  }
0xa3: {  	[timem:s7], [sflag:s22] =	dma.local [hbm:s5], s20  }
0xa4: {  	_ =	swait.ge [sflag:s22], s20  }
0xa5: {  	s4 =	ssub.s32 $0x0, s20;
	[sflag:s22] =	ssyncset.done $0x0  }
0xa6: {  	[sflag:s22] =	ssyncadd.s32 s4;
	_ =	sdelay $0x1  }
0xa7: {  	s23 =	simm.s32 $0x1B8B  }
0xa8: {  	_ =	swait.ge [sflag:s23], $0x1  }
0xa9: {  	[sflag:s23] =	ssyncset.done $0x0  }
0xaa: {  	s25 =	simm.s32 $0x1B8E;
	s24 =	sld [smem:$0x3FFE];
	[sflag:s23] =	ssyncadd.s32 $0xFFFFFFFF  }
0xab: {  	s26 =	simm.s32 $execute0_lowered;
	[smem:$0x3FD2] =	sst s25  }
0xac: {  	s5 =	sshll.u32 s26, $0x1;
	_ =	strace $0x80000046;
	[dreg:$0x1] =	wrdreg $0xFFFFFFFF  }
0xad: {  	s28 =	simm.s32 $_size_execute0_lowered;
	s3 =	sadd.s32 s3, s5;
	[dreg:$0x0] =	wrdreg $0x0  }
0xae: {  	s5 =	sshll.u32 s28, $0x1;
	[dreg:$0x2] =	wrdreg s3  }
0xaf: {  	[dreg:$0x3] =	wrdreg s5  }
0xb0: {  	[dreg:$0x4] =	wrdreg $0xC0  }
0xb1: {  	_ =	task [dreg:s7], $0x5FFFF  }
0xb2: {  	[dreg:$0x1] =	wrdreg $0xFFFFFFFF  }
0xb3: {  	[dreg:$0x0] =	wrdreg $0x60  }
0xb4: {  	[dreg:$0x2] =	wrdreg s24  }
0xb5: {  	[dreg:$0x3] =	wrdreg s16  }
0xb6: {  	[dreg:$0x4] =	wrdreg $0x9  }
0xb7: {  	_ =	task.clear_ibuf [dreg:s7], $0x5FFFF;
	_ =	strace $0x90000046  }
0xb8: {  	s29 =	simm.s32 $0x9;
	_ =	strace $0x80000048  }
0xb9: {  	_ =	swait.ge [sflag:s29], $0x1  }
0xba: {  	[sflag:s29] =	ssyncadd.s32 $0xFFFFFFFF  }
0xbb: {  	_ =	strace $0x90000048  }
0xbc: {  	_ =	sfence  }
0xbd: {  	s30 =	sld [smem:$0x0];
	_ =	sdelay $0x2  }
0xbe: {  	s31 =	sshll.u32 s1, $0xD;
	s1 =	sshrl.u32 s1, $0x2  }
0xbf: {  	s3 =	sand.u32 $0x4000, s31;
	s1 =	sadd.s32 s1, s30  }
0xc0: {  	s0 =	sor.u32 s3, s0;
	s1 =	sshll.u32 s1, $0x11  }
0xc1: {  	s0 =	sor.u32 s1, s0  }
0xc2: {  	s0 =	sadd.s32 $0x8F2B, s0  }
0xc3: {  	[sflag:s0] =	ssyncadd.remote.s32 $0x1  }
0xc4: {  	_ =	sfence.sel $0xFFFF  }
0xc5: {  	[dreg:$0x0] =	wrdreg $0xFFFFFFFF;
	(pc) =	sbr.abs _section_cstart, $3  }
0xc6: {  	[dreg:$0x1] =	wrdreg $0xFFFFFFFF  }
0xc7: {  	_ =	task.clear_ibuf [dreg:s7], $0x2FFFF;
	_ =	strace $0x9FFFFFFF  }
0xc8: {  	(tm) =	ssettm $0x7FFFFFFF  }
0xc9: {  	_ =	shalt  }
tec
execute0_lowered:
.L_overlay_start_1:
0x0: {  	(tag) =	ssettag $0x1  }
0x1: {  	s3 =	rddreg [dreg:$0x0]  }
0x2: {  	s1 =	srdreg.scid;
	s0 =	stileid.u32  }
0x3: {  	s4 =	rddreg [dreg:$0x1];
	s9 =	simm.s32 $0x400;
	s10 =	simm.s32 $0x0  }
0x4: {  	s5 =	sand.u32 $0x1, s1;
	s2 =	sshll.u32 s0, $0x1;
	s1 =	rddreg [dreg:$0x2]  }
0x5: {  	s7 =	sshrl.u32 s0, $0x2;
	s6 =	sor.u32 s5, s2;
	s2 =	simm.s32 $0x0  }
0x6: {  	s7 =	smul.u32 $0x13C00, s7;
	s5 =	ssub.s32 $0x2, s5;
	s8 =	sshll.u32 s6, $0x7  }
0x7: {  	[smem:$0x7FF] =	sst s2;
	s6 =	smul.u32 $0x500, s6;
	s31 =	sshrl.u32 s5, $0x1  }
0x8: {  	s8 =	sand.u32 $0x380, s8;
	_ =	strace $0x80000047;
	s5 =	ssub.s32 s5, s31  }
0x9: {  	s7 =	sor.u32 s7, s8;
	s3 =	sadd.s32 s6, s3;
	s5 =	smax.u32 s5, $0x1  }
0xa: {  	s6 =	simm.s32 $0x1;
	s8 =	simm.s32 $0x80;
	s7 =	sshrl.u32 s7, $0x3  }
0xb: {  	v0 =	vimm.f32 $0.0e+00;
	v1 =	vimm.f32 $1.000000000e+00;
	s3 =	sadd.s32 $0x2600, s3;
	s4 =	sadd.s32 s4, s7;
	s7 =	simm.s32 $0x2800  }
.LBB2_1:
0xc: {  	s11 =	simm.s32 $0x40;
	s12 =	simm.s32 $0x0  }
.LBB2_2:
0xd: {  	p0 =	sne.s32 s11, $0x9DC0;
	[tilespmem:s12+$0x2800] =	vst v0;
	s12 =	smov.u32 s11;
	s11 =	sadd.s32 $0x40, s11  }
.Ltmp0:
0xe: {  	(pc) =	sbr.rel @p0 .LBB2_2-.Ltmp0, $2  }
0xf: {  	_ =	sdelay $0x2  }
0x10: {  	s12 =	sshra.s32 s12, $0x2  }
0x11: {  	[tilespmem:s12+$0x2800] =	vst v0  }
0x12: {  	[tilespmem:s2], [sflag:$0x1] =	stream.linear.gather [hbm4b:s3+s2], $0x2800, $0x38;
	[tilespmem:$0x4F80] =	vst v63  }
0x13: {  	_ =	swait.ge [sflag:s6], $0x2800  }
0x14: {  	[sflag:s6] =	ssyncset.done $0x0  }
0x15: {  	s11 =	simm.s32 $0x1C0;
	[sflag:s6] =	ssyncadd.s32 $0xFFFFD800  }
.LBB2_4:
0x16: {  	s12 =	sshra.s32 s11, $0x2  }
0x17: {  	v2 =	vld [tilespmem:s12+$0xFFFFFF90];
	_ =	sdelay $0x7  }
0x18: {  	[tilespmem:v2+s7+$0x0] =	vst.idx.add.f32.msk $0xffff, v1  }
0x19: {  	v2 =	vld [tilespmem:s12+$0xFFFFFFA0];
	_ =	sdelay $0x7  }
0x1a: {  	[tilespmem:v2+s7+$0x0] =	vst.idx.add.f32.msk $0xffff, v1  }
0x1b: {  	v2 =	vld [tilespmem:s12+$0xFFFFFFB0];
	_ =	sdelay $0x7  }
0x1c: {  	[tilespmem:v2+s7+$0x0] =	vst.idx.add.f32.msk $0xffff, v1  }
0x1d: {  	v2 =	vld [tilespmem:s12+$0xFFFFFFC0];
	_ =	sdelay $0x7  }
0x1e: {  	[tilespmem:v2+s7+$0x0] =	vst.idx.add.f32.msk $0xffff, v1  }
0x1f: {  	v2 =	vld [tilespmem:s12+$0xFFFFFFD0];
	_ =	sdelay $0x7  }
0x20: {  	[tilespmem:v2+s7+$0x0] =	vst.idx.add.f32.msk $0xffff, v1  }
0x21: {  	v2 =	vld [tilespmem:s12+$0xFFFFFFE0];
	_ =	sdelay $0x7  }
0x22: {  	[tilespmem:v2+s7+$0x0] =	vst.idx.add.f32.msk $0xffff, v1  }
0x23: {  	v2 =	vld [tilespmem:s12+$0xFFFFFFF0];
	_ =	sdelay $0x7  }
0x24: {  	[tilespmem:v2+s7+$0x0] =	vst.idx.add.f32.msk $0xffff, v1  }
0x25: {  	v2 =	vld [tilespmem:s12+$0x0];
	_ =	sdelay $0x2  }
0x26: {  	p0 =	sne.s32 s11, $0x9FC0  }
.Ltmp1:
0x27: {  	_ = 	snop;
	(pc) =	sbr.rel @p0 .LBB2_4-.Ltmp1, $2  }
0x28: {  	_ =	sdelay $0x2  }
0x29: {  	s11 =	sadd.s32 $0x200, s11;
	[tilespmem:v2+s7+$0x0] =	vst.idx.add.f32.msk $0xffff, v1  }
0x2a: {  	s10 =	sadd.s32 $0x1, s10  }
0x2b: {  	p0 =	sne.s32 s10, s5  }
.Ltmp2:
0x2c: {  	_ = 	snop;
	(pc) =	sbr.rel @p0 .LBB2_1-.Ltmp2, $4  }
0x2d: {  	[hbm4b:s4+s8] =	stream.strided.scatter [tilespmem:s7], [sflag:$0x1], $0x2780, s9, s8, $0x38;
	[tilespmem:$0x4F80] =	vst v63  }
0x2e: {  	_ =	swait.ge [sflag:s6], $0x2780  }
0x2f: {  	[sflag:s6] =	ssyncset.done $0x0  }
0x30: {  	[sflag:s6] =	ssyncadd.s32 $0xFFFFD880  }
0x31: {  	_ =	sfence.sel $0x180000  }
0x32: {  	[bflag:$0x0] =	sbarrier.arrive $0xFFFF  }
0x33: {  	p0 =	sne.s32 s0, $0x0;
	_ =	strace $0x90000047  }
0x34: {  	s0 =	sadd.s32 @!p0 $0x100000, s1;
	[bflag:$0x2] =	sbarrier.arrive $0xFFFF  }
0x35: {  	[sflag:s0] =	ssyncadd.tile.s32 @!p0 $0x1;
	_ =	shalt  }
.Lfunc_end2:
_tile_overlayer_lowered:
.L_overlay_start_2:
0x36: {  	(tag) =	ssettag $0x2  }
0x37: {  	s0 =	rddreg [dreg:$0x0];
	s2 =	stileid.u32  }
0x38: {  	s1 =	rddreg [dreg:$0x1];
	p0 =	sne.s32 s2, $0x0  }
0x39: {  	s3 =	rddreg [dreg:$0x2];
	[bflag:$0x3] =	sbarrier.arrive $0xFFFF;
	s2 =	simm.s32 @!p0 $0x1C01  }
0x3a: {  	[timem:s3], [sflag:s2] =	dma.local @!p0 [hbm:s0], s1  }
0x3b: {  	s0 =	simm.s32 @!p0 $0x1  }
0x3c: {  	_ =	swait.ge @!p0 [sflag:s0], s1  }
0x3d: {  	s1 =	ssub.s32 @!p0 $0x0, s1;
	[sflag:s0] =	ssyncset.done @!p0 $0x0  }
0x3e: {  	[sflag:s0] =	ssyncadd.s32 @!p0 s1  }
0x3f: {  	[bflag:$0x3] =	sbarrier.arrive $0xFFFF  }
0x40: {  	_ =	shalt  }

</sc_bundles>
